<compile_context>
chip_gen: v7x
topology: tpu7x:2x2x1
jax: 0.10.2.dev20260603
libtpu: 0.0.44.dev20260713+nightly
codegen_flags: <defaults>
</compile_context>

<pallas_src>
import jax
import jax.numpy as jnp
from jax import lax
from jax.experimental import pallas as pl
from jax.experimental.pallas import tpu as pltpu
from jax.experimental.pallas import tpu_sc as plsc

_VOCAB = 1000
_EMB = 64
_FULL = 5
_B = 4096
_L = 50
_LW = _L - _FULL + 1
_VPAD = 1024

_NC = 2
_NS = 16
_ROWS = _B // (_NC * _NS)


def _score_table_kernel(tabt_hbm, w1t_hbm, b1_ref, w2_ref, b2_ref, p_hbm,
                        tabt_v, w1t_v, p_v, sem):
    pltpu.make_async_copy(tabt_hbm, tabt_v, sem).start()
    pltpu.make_async_copy(w1t_hbm, w1t_v, sem).start()
    pltpu.make_async_copy(tabt_hbm, tabt_v, sem).wait()
    pltpu.make_async_copy(w1t_hbm, w1t_v, sem).wait()
    tabt = tabt_v[...]
    w2 = w2_ref[...]
    w1t = w1t_v[...]
    c = jnp.sum(w2 * b1_ref[...]) + b2_ref[0, 0]
    wvec = lax.dot_general(w1t, w2, (((1,), (1,)), ((), ())))
    prows = [
        lax.dot_general(wvec[_EMB * j:_EMB * (j + 1), :], tabt,
                        (((0,), (0,)), ((), ())))
        for j in range(_FULL)
    ]
    p0 = jnp.concatenate(prows, axis=0)
    row = lax.broadcasted_iota(jnp.int32, (_FULL, _VOCAB), 0)
    p_pad = jnp.pad(p0 + jnp.where(row == 0, c, 0.0),
                    ((0, 0), (0, _VPAD - _VOCAB)))
    p_v[...] = p_pad.reshape(_FULL * _VPAD // 128, 128)
    pltpu.make_async_copy(p_v, p_hbm, sem).start()
    pltpu.make_async_copy(p_v, p_hbm, sem).wait()


def _window_score_kernel(inp_hbm, p_hbm, out_hbm, inp_v,
                         p0_v, p1_v, p2_v, p3_v, p4_v, out_v, sem):
    wid = lax.axis_index("s") * _NC + lax.axis_index("c")
    base = wid * _ROWS
    p_refs = (p0_v, p1_v, p2_v, p3_v, p4_v)
    copies = [pltpu.async_copy(inp_hbm.at[:, pl.ds(base, _ROWS)], inp_v, sem)]
    copies += [pltpu.async_copy(p_hbm.at[pl.ds(j * _VPAD, _VPAD)], p_refs[j],
                                sem)
               for j in range(_FULL)]
    for cp in copies:
        cp.wait()

    nchunks = _ROWS // 16

    @plsc.parallel_loop(0, _LW * nchunks, 1, unroll=16)
    def body(i):
        t = lax.shift_right_logical(i, 3)
        b0 = lax.shift_left(lax.bitwise_and(i, nchunks - 1), 4)
        g = [plsc.load_gather(p_refs[j], [inp_v[t + j, pl.ds(b0, 16)]])
             for j in range(_FULL)]
        acc = ((g[0] + g[1]) + (g[2] + g[3])) + g[4]
        out_v[t, pl.ds(b0, 16)] = 1.0 / (1.0 + jnp.exp(-acc))

    pltpu.sync_copy(out_v, out_hbm.at[:, pl.ds(base, _ROWS)])


def kernel(inputs, table, W1, b1, W2, b2):
    p = pl.pallas_call(
        _score_table_kernel,
        out_shape=jax.ShapeDtypeStruct((_FULL * _VPAD // 128, 128),
                                       jnp.float32),
        in_specs=[
            pl.BlockSpec(memory_space=pltpu.MemorySpace.HBM),
            pl.BlockSpec(memory_space=pltpu.MemorySpace.HBM),
            pl.BlockSpec(memory_space=pltpu.VMEM),
            pl.BlockSpec(memory_space=pltpu.VMEM),
            pl.BlockSpec(memory_space=pltpu.VMEM),
        ],
        out_specs=pl.BlockSpec(memory_space=pltpu.MemorySpace.HBM),
        scratch_shapes=[
            pltpu.VMEM((_EMB, _VOCAB), jnp.float32),
            pltpu.VMEM((_FULL * _EMB, 128), jnp.float32),
            pltpu.VMEM((_FULL * _VPAD // 128, 128), jnp.float32),
            pltpu.SemaphoreType.DMA,
        ],
    )(pltpu.with_memory_space_constraint(table.T, pltpu.MemorySpace.HBM),
      pltpu.with_memory_space_constraint(W1.T, pltpu.MemorySpace.HBM),
      b1.reshape(1, -1), W2, b2.reshape(1, 1))
    inp_t = inputs.astype(jnp.int32).T

    sc = pl.kernel(
        _window_score_kernel,
        out_type=jax.ShapeDtypeStruct((_LW, _B), jnp.float32),
        mesh=plsc.VectorSubcoreMesh(core_axis_name="c", subcore_axis_name="s"),
        compiler_params=pltpu.CompilerParams(needs_layout_passes=False),
        scratch_types=[
            pltpu.VMEM((_L, _ROWS), jnp.int32),
            pltpu.VMEM((_VPAD,), jnp.float32),
            pltpu.VMEM((_VPAD,), jnp.float32),
            pltpu.VMEM((_VPAD,), jnp.float32),
            pltpu.VMEM((_VPAD,), jnp.float32),
            pltpu.VMEM((_VPAD,), jnp.float32),
            pltpu.VMEM((_LW, _ROWS), jnp.float32),
            pltpu.SemaphoreType.DMA,
        ],
    )
    return sc(inp_t, p.reshape(-1)).T

# --- scband reference (transcript-rebuilt; emitter-appended) ---
"""Pipeline reference for scband-word-window-classifier-46840913330775 (READ-ONLY COPY).

The authoritative reference and input builder live on the scoring server;
editing this copy changes nothing except your own understanding.
"""

import jax, jax.numpy as jnp
import numpy as np

VOCAB = 1000
EMB = 64
HID = 128
WIN = 2
FULL = 2 * WIN + 1
B = 4096
L = 50

def setup_inputs(seed: int = 0) -> dict:
    key = jax.random.key(seed)
    k1, k2, k3, k4 = jax.random.split(key, 4)
    inputs = jax.random.randint(k1, (B, L), 0, VOCAB)
    table = jax.random.normal(k2, (VOCAB, EMB), dtype=jnp.float32) * 0.05
    table = table.at[0].set(0.0)  # padding_idx=0 row initialized to zeros
    W1 = jax.random.normal(k3, (HID, FULL * EMB), dtype=jnp.float32) * 0.05
    b1 = jnp.zeros((HID,), dtype=jnp.float32)
    W2 = jax.random.normal(k4, (1, HID), dtype=jnp.float32) * 0.05
    b2 = jnp.zeros((1,), dtype=jnp.float32)
    return {"inputs": inputs, "table": table, "W1": W1, "b1": b1, "W2": W2, "b2": b2}

def reference(inputs, table, W1, b1, W2, b2):
    Bb, Ll = inputs.shape
    Lw = Ll - FULL + 1
    # torch unfold(dim=1, size=FULL, step=1)
    idx = jnp.arange(Lw)[:, None] + jnp.arange(FULL)[None, :]
    win = inputs[:, idx]  # [B, Lw, FULL]
    x = jnp.take(table, win, axis=0)  # [B, Lw, FULL, EMB] (embedding gather)
    x = x.reshape(Bb, Lw, FULL * table.shape[1])
    h = x @ W1.T + b1
    o = h @ W2.T + b2
    out = jax.nn.sigmoid(o)
    return out.reshape(Bb, -1)

if __name__ == "__main__":
    import jax
    _d = setup_inputs()
    print(jax.jit(kernel)(*tuple(_d.values())))

</pallas_src>

<mosaic_0001>
#map = affine_map<(d0, d1) -> (0, 0)>
#map1 = affine_map<(d0, d1) -> (0)>
module attributes {stable_mosaic.version = 14 : i64} {
  func.func @_window_score_kernel(%arg0: i32, %arg1: i32, %arg2: memref<50x4096xi32, #tpu.memory_space<hbm>>, %arg3: memref<5120xf32, #tpu.memory_space<hbm>>, %arg4: memref<46x4096xf32, #tpu.memory_space<hbm>>, %arg5: memref<50x128xi32, #tpu.memory_space<vmem>>, %arg6: memref<1024xf32, #tpu.memory_space<vmem>>, %arg7: memref<1024xf32, #tpu.memory_space<vmem>>, %arg8: memref<1024xf32, #tpu.memory_space<vmem>>, %arg9: memref<1024xf32, #tpu.memory_space<vmem>>, %arg10: memref<1024xf32, #tpu.memory_space<vmem>>, %arg11: memref<46x128xf32, #tpu.memory_space<vmem>>, %arg12: memref<!tpu.dma_semaphore, #tpu.memory_space<semaphore_mem>>) attributes {dimension_semantics = [#tpu.dimension_semantics<core_parallel>, #tpu.dimension_semantics<subcore_parallel>], iteration_bounds = array<i64: 2, 16>, scalar_prefetch = 0 : i64, scratch_operands = 8 : i64, tpu.core_type = #tpu.core_type<sc_vector_subcore>, window_params = [{transform_indices = #map}, {transform_indices = #map1}, {transform_indices = #map}]} {
    %mul3A = arith.constant 2 : i32
    %mul3A_0 = arith.muli %arg1, %mul3A : i32
    %add3A = arith.addi %mul3A_0, %arg0 : i32
    %mul3A_1 = arith.constant 128 : i32
    %mul3A_2 = arith.muli %add3A, %mul3A_1 : i32
    %dma_start3A = arith.constant 0 : i32
    %dma_start3A_3 = tpu.memref_slice %arg2[%dma_start3A, %mul3A_2] : memref<50x4096xi32, #tpu.memory_space<hbm>> -> memref<50x128xi32, #tpu.memory_space<hbm>>
    %dma_start3A_4 = arith.constant 0 : i32
    %dma_start3A_5 = tpu.memref_slice %arg2[%dma_start3A_4, %mul3A_2] : memref<50x4096xi32, #tpu.memory_space<hbm>> -> memref<50x128xi32, #tpu.memory_space<hbm>>
    tpu.enqueue_dma source(%dma_start3A_5 : memref<50x128xi32, #tpu.memory_space<hbm>>) target(%arg5 : memref<50x128xi32, #tpu.memory_space<vmem>>) target_semaphore(%arg12 : memref<!tpu.dma_semaphore, #tpu.memory_space<semaphore_mem>>)
    %dma_start3A_6 = arith.constant 0 : i32
    %dma_start3A_7 = tpu.memref_slice %arg3[%dma_start3A_6] : memref<5120xf32, #tpu.memory_space<hbm>> -> memref<1024xf32, #tpu.memory_space<hbm>>
    %dma_start3A_8 = arith.constant 0 : i32
    %dma_start3A_9 = tpu.memref_slice %arg3[%dma_start3A_8] : memref<5120xf32, #tpu.memory_space<hbm>> -> memref<1024xf32, #tpu.memory_space<hbm>>
    tpu.enqueue_dma source(%dma_start3A_9 : memref<1024xf32, #tpu.memory_space<hbm>>) target(%arg6 : memref<1024xf32, #tpu.memory_space<vmem>>) target_semaphore(%arg12 : memref<!tpu.dma_semaphore, #tpu.memory_space<semaphore_mem>>)
    %dma_start3A_10 = arith.constant 1024 : i32
    %dma_start3A_11 = tpu.memref_slice %arg3[%dma_start3A_10] : memref<5120xf32, #tpu.memory_space<hbm>> -> memref<1024xf32, #tpu.memory_space<hbm>>
    %dma_start3A_12 = arith.constant 1024 : i32
    %dma_start3A_13 = tpu.memref_slice %arg3[%dma_start3A_12] : memref<5120xf32, #tpu.memory_space<hbm>> -> memref<1024xf32, #tpu.memory_space<hbm>>
    tpu.enqueue_dma source(%dma_start3A_13 : memref<1024xf32, #tpu.memory_space<hbm>>) target(%arg7 : memref<1024xf32, #tpu.memory_space<vmem>>) target_semaphore(%arg12 : memref<!tpu.dma_semaphore, #tpu.memory_space<semaphore_mem>>)
    %dma_start3A_14 = arith.constant 2048 : i32
    %dma_start3A_15 = tpu.memref_slice %arg3[%dma_start3A_14] : memref<5120xf32, #tpu.memory_space<hbm>> -> memref<1024xf32, #tpu.memory_space<hbm>>
    %dma_start3A_16 = arith.constant 2048 : i32
    %dma_start3A_17 = tpu.memref_slice %arg3[%dma_start3A_16] : memref<5120xf32, #tpu.memory_space<hbm>> -> memref<1024xf32, #tpu.memory_space<hbm>>
    tpu.enqueue_dma source(%dma_start3A_17 : memref<1024xf32, #tpu.memory_space<hbm>>) target(%arg8 : memref<1024xf32, #tpu.memory_space<vmem>>) target_semaphore(%arg12 : memref<!tpu.dma_semaphore, #tpu.memory_space<semaphore_mem>>)
    %dma_start3A_18 = arith.constant 3072 : i32
    %dma_start3A_19 = tpu.memref_slice %arg3[%dma_start3A_18] : memref<5120xf32, #tpu.memory_space<hbm>> -> memref<1024xf32, #tpu.memory_space<hbm>>
    %dma_start3A_20 = arith.constant 3072 : i32
    %dma_start3A_21 = tpu.memref_slice %arg3[%dma_start3A_20] : memref<5120xf32, #tpu.memory_space<hbm>> -> memref<1024xf32, #tpu.memory_space<hbm>>
    tpu.enqueue_dma source(%dma_start3A_21 : memref<1024xf32, #tpu.memory_space<hbm>>) target(%arg9 : memref<1024xf32, #tpu.memory_space<vmem>>) target_semaphore(%arg12 : memref<!tpu.dma_semaphore, #tpu.memory_space<semaphore_mem>>)
    %dma_start3A_22 = arith.constant 4096 : i32
    %dma_start3A_23 = tpu.memref_slice %arg3[%dma_start3A_22] : memref<5120xf32, #tpu.memory_space<hbm>> -> memref<1024xf32, #tpu.memory_space<hbm>>
    %dma_start3A_24 = arith.constant 4096 : i32
    %dma_start3A_25 = tpu.memref_slice %arg3[%dma_start3A_24] : memref<5120xf32, #tpu.memory_space<hbm>> -> memref<1024xf32, #tpu.memory_space<hbm>>
    tpu.enqueue_dma source(%dma_start3A_25 : memref<1024xf32, #tpu.memory_space<hbm>>) target(%arg10 : memref<1024xf32, #tpu.memory_space<vmem>>) target_semaphore(%arg12 : memref<!tpu.dma_semaphore, #tpu.memory_space<semaphore_mem>>)
    %dma_wait3A = arith.constant 0 : i32
    %dma_wait3A_26 = tpu.memref_slice %arg2[%dma_wait3A, %mul3A_2] : memref<50x4096xi32, #tpu.memory_space<hbm>> -> memref<50x128xi32, #tpu.memory_space<hbm>>
    %dma_wait3A_27 = arith.constant 0 : i32
    %dma_wait3A_28 = tpu.memref_slice %arg2[%dma_wait3A_27, %mul3A_2] : memref<50x4096xi32, #tpu.memory_space<hbm>> -> memref<50x128xi32, #tpu.memory_space<hbm>>
    tpu.wait_dma2 semaphore(%arg12 : memref<!tpu.dma_semaphore, #tpu.memory_space<semaphore_mem>>) src(%dma_wait3A_28 : memref<50x128xi32, #tpu.memory_space<hbm>>) dst(%arg5 : memref<50x128xi32, #tpu.memory_space<vmem>>)
    %dma_wait3A_29 = arith.constant 0 : i32
    %dma_wait3A_30 = tpu.memref_slice %arg3[%dma_wait3A_29] : memref<5120xf32, #tpu.memory_space<hbm>> -> memref<1024xf32, #tpu.memory_space<hbm>>
    %dma_wait3A_31 = arith.constant 0 : i32
    %dma_wait3A_32 = tpu.memref_slice %arg3[%dma_wait3A_31] : memref<5120xf32, #tpu.memory_space<hbm>> -> memref<1024xf32, #tpu.memory_space<hbm>>
    tpu.wait_dma2 semaphore(%arg12 : memref<!tpu.dma_semaphore, #tpu.memory_space<semaphore_mem>>) src(%dma_wait3A_32 : memref<1024xf32, #tpu.memory_space<hbm>>) dst(%arg6 : memref<1024xf32, #tpu.memory_space<vmem>>)
    %dma_wait3A_33 = arith.constant 1024 : i32
    %dma_wait3A_34 = tpu.memref_slice %arg3[%dma_wait3A_33] : memref<5120xf32, #tpu.memory_space<hbm>> -> memref<1024xf32, #tpu.memory_space<hbm>>
    %dma_wait3A_35 = arith.constant 1024 : i32
    %dma_wait3A_36 = tpu.memref_slice %arg3[%dma_wait3A_35] : memref<5120xf32, #tpu.memory_space<hbm>> -> memref<1024xf32, #tpu.memory_space<hbm>>
    tpu.wait_dma2 semaphore(%arg12 : memref<!tpu.dma_semaphore, #tpu.memory_space<semaphore_mem>>) src(%dma_wait3A_36 : memref<1024xf32, #tpu.memory_space<hbm>>) dst(%arg7 : memref<1024xf32, #tpu.memory_space<vmem>>)
    %dma_wait3A_37 = arith.constant 2048 : i32
    %dma_wait3A_38 = tpu.memref_slice %arg3[%dma_wait3A_37] : memref<5120xf32, #tpu.memory_space<hbm>> -> memref<1024xf32, #tpu.memory_space<hbm>>
    %dma_wait3A_39 = arith.constant 2048 : i32
    %dma_wait3A_40 = tpu.memref_slice %arg3[%dma_wait3A_39] : memref<5120xf32, #tpu.memory_space<hbm>> -> memref<1024xf32, #tpu.memory_space<hbm>>
    tpu.wait_dma2 semaphore(%arg12 : memref<!tpu.dma_semaphore, #tpu.memory_space<semaphore_mem>>) src(%dma_wait3A_40 : memref<1024xf32, #tpu.memory_space<hbm>>) dst(%arg8 : memref<1024xf32, #tpu.memory_space<vmem>>)
    %dma_wait3A_41 = arith.constant 3072 : i32
    %dma_wait3A_42 = tpu.memref_slice %arg3[%dma_wait3A_41] : memref<5120xf32, #tpu.memory_space<hbm>> -> memref<1024xf32, #tpu.memory_space<hbm>>
    %dma_wait3A_43 = arith.constant 3072 : i32
    %dma_wait3A_44 = tpu.memref_slice %arg3[%dma_wait3A_43] : memref<5120xf32, #tpu.memory_space<hbm>> -> memref<1024xf32, #tpu.memory_space<hbm>>
    tpu.wait_dma2 semaphore(%arg12 : memref<!tpu.dma_semaphore, #tpu.memory_space<semaphore_mem>>) src(%dma_wait3A_44 : memref<1024xf32, #tpu.memory_space<hbm>>) dst(%arg9 : memref<1024xf32, #tpu.memory_space<vmem>>)
    %dma_wait3A_45 = arith.constant 4096 : i32
    %dma_wait3A_46 = tpu.memref_slice %arg3[%dma_wait3A_45] : memref<5120xf32, #tpu.memory_space<hbm>> -> memref<1024xf32, #tpu.memory_space<hbm>>
    %dma_wait3A_47 = arith.constant 4096 : i32
    %dma_wait3A_48 = tpu.memref_slice %arg3[%dma_wait3A_47] : memref<5120xf32, #tpu.memory_space<hbm>> -> memref<1024xf32, #tpu.memory_space<hbm>>
    tpu.wait_dma2 semaphore(%arg12 : memref<!tpu.dma_semaphore, #tpu.memory_space<semaphore_mem>>) src(%dma_wait3A_48 : memref<1024xf32, #tpu.memory_space<hbm>>) dst(%arg10 : memref<1024xf32, #tpu.memory_space<vmem>>)
    %parallel_loop3A = arith.constant 0 : i32
    %parallel_loop3A_49 = arith.constant 368 : i32
    %parallel_loop3A_50 = arith.constant 1 : i32
    scf.for %parallel_loop3A_51 = %parallel_loop3A to %parallel_loop3A_49 step %parallel_loop3A_50  : i32 {
      %parallel_loop3A_52 = arith.constant 3 : i32
      %parallel_loop3A_53 = arith.shrui %parallel_loop3A_51, %parallel_loop3A_52 : i32
      %parallel_loop3A_54 = arith.constant 7 : i32
      %parallel_loop3A_55 = arith.andi %parallel_loop3A_51, %parallel_loop3A_54 : i32
      %parallel_loop3A_56 = arith.constant 4 : i32
      %parallel_loop3A_57 = arith.shli %parallel_loop3A_55, %parallel_loop3A_56 : i32
      %parallel_loop3A_58 = arith.constant 0 : i32
      %parallel_loop3A_59 = arith.addi %parallel_loop3A_53, %parallel_loop3A_58 : i32
      %parallel_loop3A_60 = arith.index_cast %parallel_loop3A_59 : i32 to index
      %parallel_loop3A_61 = arith.index_cast %parallel_loop3A_57 : i32 to index
      %parallel_loop3A_62 = tpu.vector_load %arg5[%parallel_loop3A_60, %parallel_loop3A_61] {strides = array<i32>} : memref<50x128xi32, #tpu.memory_space<vmem>>, vector<16xi32>,
      %parallel_loop3A_63 = tpu.vector_load_idx %arg6[%parallel_loop3A_62] : memref<1024xf32, #tpu.memory_space<vmem>>[vector<16xi32>], vector<16xf32>,
      %parallel_loop3A_64 = arith.constant 1 : i32
      %parallel_loop3A_65 = arith.addi %parallel_loop3A_53, %parallel_loop3A_64 : i32
      %parallel_loop3A_66 = arith.index_cast %parallel_loop3A_65 : i32 to index
      %parallel_loop3A_67 = arith.index_cast %parallel_loop3A_57 : i32 to index
      %parallel_loop3A_68 = tpu.vector_load %arg5[%parallel_loop3A_66, %parallel_loop3A_67] {strides = array<i32>} : memref<50x128xi32, #tpu.memory_space<vmem>>, vector<16xi32>,
      %parallel_loop3A_69 = tpu.vector_load_idx %arg7[%parallel_loop3A_68] : memref<1024xf32, #tpu.memory_space<vmem>>[vector<16xi32>], vector<16xf32>,
      %parallel_loop3A_70 = arith.constant 2 : i32
      %parallel_loop3A_71 = arith.addi %parallel_loop3A_53, %parallel_loop3A_70 : i32
      %parallel_loop3A_72 = arith.index_cast %parallel_loop3A_71 : i32 to index
      %parallel_loop3A_73 = arith.index_cast %parallel_loop3A_57 : i32 to index
      %parallel_loop3A_74 = tpu.vector_load %arg5[%parallel_loop3A_72, %parallel_loop3A_73] {strides = array<i32>} : memref<50x128xi32, #tpu.memory_space<vmem>>, vector<16xi32>,
      %parallel_loop3A_75 = tpu.vector_load_idx %arg8[%parallel_loop3A_74] : memref<1024xf32, #tpu.memory_space<vmem>>[vector<16xi32>], vector<16xf32>,
      %parallel_loop3A_76 = arith.constant 3 : i32
      %parallel_loop3A_77 = arith.addi %parallel_loop3A_53, %parallel_loop3A_76 : i32
      %parallel_loop3A_78 = arith.index_cast %parallel_loop3A_77 : i32 to index
      %parallel_loop3A_79 = arith.index_cast %parallel_loop3A_57 : i32 to index
      %parallel_loop3A_80 = tpu.vector_load %arg5[%parallel_loop3A_78, %parallel_loop3A_79] {strides = array<i32>} : memref<50x128xi32, #tpu.memory_space<vmem>>, vector<16xi32>,
      %parallel_loop3A_81 = tpu.vector_load_idx %arg9[%parallel_loop3A_80] : memref<1024xf32, #tpu.memory_space<vmem>>[vector<16xi32>], vector<16xf32>,
      %parallel_loop3A_82 = arith.constant 4 : i32
      %parallel_loop3A_83 = arith.addi %parallel_loop3A_53, %parallel_loop3A_82 : i32
      %parallel_loop3A_84 = arith.index_cast %parallel_loop3A_83 : i32 to index
      %parallel_loop3A_85 = arith.index_cast %parallel_loop3A_57 : i32 to index
      %parallel_loop3A_86 = tpu.vector_load %arg5[%parallel_loop3A_84, %parallel_loop3A_85] {strides = array<i32>} : memref<50x128xi32, #tpu.memory_space<vmem>>, vector<16xi32>,
      %parallel_loop3A_87 = tpu.vector_load_idx %arg10[%parallel_loop3A_86] : memref<1024xf32, #tpu.memory_space<vmem>>[vector<16xi32>], vector<16xf32>,
      %parallel_loop3A_88 = arith.addf %parallel_loop3A_63, %parallel_loop3A_69 : vector<16xf32>
      %parallel_loop3A_89 = arith.addf %parallel_loop3A_75, %parallel_loop3A_81 : vector<16xf32>
      %parallel_loop3A_90 = arith.addf %parallel_loop3A_88, %parallel_loop3A_89 : vector<16xf32>
      %parallel_loop3A_91 = arith.addf %parallel_loop3A_90, %parallel_loop3A_87 : vector<16xf32>
      %parallel_loop3A_92 = arith.constant 0.000000e+00 : f32
      %parallel_loop3A_93 = vector.broadcast %parallel_loop3A_92 : f32 to vector<16xf32>
      %parallel_loop3A_94 = arith.subf %parallel_loop3A_93, %parallel_loop3A_91 : vector<16xf32>
      %parallel_loop3A_95 = math.exp %parallel_loop3A_94 : vector<16xf32>
      %parallel_loop3A_96 = arith.constant 1.000000e+00 : f32
      %parallel_loop3A_97 = vector.broadcast %parallel_loop3A_96 : f32 to vector<16xf32>
      %parallel_loop3A_98 = arith.addf %parallel_loop3A_97, %parallel_loop3A_95 : vector<16xf32>
      %parallel_loop3A_99 = arith.constant 1.000000e+00 : f32
      %parallel_loop3A_100 = vector.broadcast %parallel_loop3A_99 : f32 to vector<16xf32>
      %parallel_loop3A_101 = arith.divf %parallel_loop3A_100, %parallel_loop3A_98 : vector<16xf32>
      %parallel_loop3A_102 = arith.index_cast %parallel_loop3A_53 : i32 to index
      %parallel_loop3A_103 = arith.index_cast %parallel_loop3A_57 : i32 to index
      %parallel_loop3A_104 = tpu.vector_load %arg11[%parallel_loop3A_102, %parallel_loop3A_103] {strides = array<i32>} : memref<46x128xf32, #tpu.memory_space<vmem>>, vector<16xf32>,
      tpu.vector_store %arg11[%parallel_loop3A_102, %parallel_loop3A_103], %parallel_loop3A_101 {strides = array<i32>} : memref<46x128xf32, #tpu.memory_space<vmem>>, vector<16xf32>,
    } {sc.loop_unroll_factor = 16 : i64, sc.parallel_access}
    "tpu.region"() ({
      %run_scoped3A = tpu.sem_alloc : memref<!tpu.dma_semaphore, #tpu.memory_space<semaphore_mem>>
      %dma_start3A_51 = arith.constant 0 : i32
      %dma_start3A_52 = tpu.memref_slice %arg4[%dma_start3A_51, %mul3A_2] : memref<46x4096xf32, #tpu.memory_space<hbm>> -> memref<46x128xf32, #tpu.memory_space<hbm>>
      %dma_start3A_53 = arith.constant 0 : i32
      %dma_start3A_54 = tpu.memref_slice %arg4[%dma_start3A_53, %mul3A_2] : memref<46x4096xf32, #tpu.memory_space<hbm>> -> memref<46x128xf32, #tpu.memory_space<hbm>>
      tpu.enqueue_dma source(%arg11 : memref<46x128xf32, #tpu.memory_space<vmem>>) target(%dma_start3A_54 : memref<46x128xf32, #tpu.memory_space<hbm>>) target_semaphore(%run_scoped3A : memref<!tpu.dma_semaphore, #tpu.memory_space<semaphore_mem>>)
      %dma_wait3A_55 = arith.constant 0 : i32
      %dma_wait3A_56 = tpu.memref_slice %arg4[%dma_wait3A_55, %mul3A_2] : memref<46x4096xf32, #tpu.memory_space<hbm>> -> memref<46x128xf32, #tpu.memory_space<hbm>>
      %dma_wait3A_57 = arith.constant 0 : i32
      %dma_wait3A_58 = tpu.memref_slice %arg4[%dma_wait3A_57, %mul3A_2] : memref<46x4096xf32, #tpu.memory_space<hbm>> -> memref<46x128xf32, #tpu.memory_space<hbm>>
      tpu.wait_dma2 semaphore(%run_scoped3A : memref<!tpu.dma_semaphore, #tpu.memory_space<semaphore_mem>>) src(%arg11 : memref<46x128xf32, #tpu.memory_space<vmem>>) dst(%dma_wait3A_58 : memref<46x128xf32, #tpu.memory_space<hbm>>)
      tpu.yield
    }) : () -> ()
    return
  }
}

module attributes {stable_mosaic.version = 14 : i64} {
  func.func @_score_table_kernel(%arg0: memref<64x1000xf32, #tpu.memory_space<hbm>>, %arg1: memref<320x128xf32, #tpu.memory_space<hbm>>, %arg2: memref<1x128xf32, #tpu.memory_space<vmem>>, %arg3: memref<1x128xf32, #tpu.memory_space<vmem>>, %arg4: memref<1x1xf32, #tpu.memory_space<vmem>>, %arg5: memref<40x128xf32, #tpu.memory_space<hbm>>, %arg6: memref<64x1000xf32, #tpu.memory_space<vmem>>, %arg7: memref<320x128xf32, #tpu.memory_space<vmem>>, %arg8: memref<40x128xf32, #tpu.memory_space<vmem>>, %arg9: memref<!tpu.dma_semaphore, #tpu.memory_space<semaphore_mem>>) attributes {dimension_semantics = [], scalar_prefetch = 0 : i64, scratch_operands = 4 : i64, tpu.core_type = #tpu.core_type<tc>} {
    tpu.enqueue_dma source(%arg0 : memref<64x1000xf32, #tpu.memory_space<hbm>>) target(%arg6 : memref<64x1000xf32, #tpu.memory_space<vmem>>) target_semaphore(%arg9 : memref<!tpu.dma_semaphore, #tpu.memory_space<semaphore_mem>>)
    tpu.enqueue_dma source(%arg1 : memref<320x128xf32, #tpu.memory_space<hbm>>) target(%arg7 : memref<320x128xf32, #tpu.memory_space<vmem>>) target_semaphore(%arg9 : memref<!tpu.dma_semaphore, #tpu.memory_space<semaphore_mem>>)
    tpu.wait_dma2 semaphore(%arg9 : memref<!tpu.dma_semaphore, #tpu.memory_space<semaphore_mem>>) src(%arg0 : memref<64x1000xf32, #tpu.memory_space<hbm>>) dst(%arg6 : memref<64x1000xf32, #tpu.memory_space<vmem>>)
    tpu.wait_dma2 semaphore(%arg9 : memref<!tpu.dma_semaphore, #tpu.memory_space<semaphore_mem>>) src(%arg1 : memref<320x128xf32, #tpu.memory_space<hbm>>) dst(%arg7 : memref<320x128xf32, #tpu.memory_space<vmem>>)
    %get3A = arith.constant 0 : index
    %get3A_0 = arith.constant 0 : index
    %get3A_1 = vector.load %arg6[%get3A, %get3A_0] : memref<64x1000xf32, #tpu.memory_space<vmem>>, vector<64x1000xf32>
    %get3A_2 = arith.constant 0 : index
    %get3A_3 = arith.constant 0 : index
    %get3A_4 = vector.load %arg3[%get3A_2, %get3A_3] : memref<1x128xf32, #tpu.memory_space<vmem>>, vector<1x128xf32>
    %get3A_5 = arith.constant 0 : index
    %get3A_6 = arith.constant 0 : index
    %get3A_7 = vector.load %arg7[%get3A_5, %get3A_6] : memref<320x128xf32, #tpu.memory_space<vmem>>, vector<320x128xf32>
    %get3A_8 = arith.constant 0 : index
    %get3A_9 = arith.constant 0 : index
    %get3A_10 = vector.load %arg2[%get3A_8, %get3A_9] : memref<1x128xf32, #tpu.memory_space<vmem>>, vector<1x128xf32>
    %mul3A = arith.mulf %get3A_4, %get3A_10 : vector<1x128xf32>
    %reduce_sum3A = vector.shape_cast %mul3A : vector<1x128xf32> to vector<1x1x128xf32>
    %reduce_sum3A_11 = arith.constant dense<0.000000e+00> : vector<1xf32>
    %reduce_sum3A_12 = vector.multi_reduction <add>, %reduce_sum3A, %reduce_sum3A_11 [1, 2] : vector<1x1x128xf32> to vector<1xf32>
    %reduce_sum3A_13 = vector.shape_cast %reduce_sum3A_12 : vector<1xf32> to vector<1x1x1xf32>
    %reduce_sum3A_14 = vector.extract %reduce_sum3A_13[0, 0, 0] : f32 from vector<1x1x1xf32>
    %get3A_15 = arith.constant 0 : index
    %get3A_16 = arith.constant 0 : index
    %get3A_17 = vector.load %arg4[%get3A_15, %get3A_16] : memref<1x1xf32, #tpu.memory_space<vmem>>, vector<1x1xf32>
    %get3A_18 = vector.extract %get3A_17[0, 0] : f32 from vector<1x1xf32>
    %add3A = arith.addf %reduce_sum3A_14, %get3A_18 : f32
    %dot_general3A = arith.constant dense<0.000000e+00> : vector<320x1xf32>
    %dot_general3A_19 = tpu.matmul %get3A_7, %get3A_4, %dot_general3A {dimension_numbers = #tpu.dot_dimension_numbers<[1], [1], [0], [0], [0, 0, 1, 0], [], []>, transpose_lhs_hint = false} : vector<320x128xf32>, vector<1x128xf32>, vector<320x1xf32> -> vector<320x1xf32>
    %slice3A = vector.extract_strided_slice %dot_general3A_19 {offsets = [0, 0], sizes = [64, 1], strides = [1, 1]} : vector<320x1xf32> to vector<64x1xf32>
    %dot_general3A_20 = arith.constant dense<0.000000e+00> : vector<1x1000xf32>
    %dot_general3A_21 = tpu.matmul %slice3A, %get3A_1, %dot_general3A_20 {dimension_numbers = #tpu.dot_dimension_numbers<[0], [0], [1], [1], [0, 1, 1, 1], [], []>, transpose_lhs_hint = false} : vector<64x1xf32>, vector<64x1000xf32>, vector<1x1000xf32> -> vector<1x1000xf32>
    %slice3A_22 = vector.extract_strided_slice %dot_general3A_19 {offsets = [64, 0], sizes = [64, 1], strides = [1, 1]} : vector<320x1xf32> to vector<64x1xf32>
    %dot_general3A_23 = arith.constant dense<0.000000e+00> : vector<1x1000xf32>
    %dot_general3A_24 = tpu.matmul %slice3A_22, %get3A_1, %dot_general3A_23 {dimension_numbers = #tpu.dot_dimension_numbers<[0], [0], [1], [1], [0, 1, 1, 1], [], []>, transpose_lhs_hint = false} : vector<64x1xf32>, vector<64x1000xf32>, vector<1x1000xf32> -> vector<1x1000xf32>
    %slice3A_25 = vector.extract_strided_slice %dot_general3A_19 {offsets = [128, 0], sizes = [64, 1], strides = [1, 1]} : vector<320x1xf32> to vector<64x1xf32>
    %dot_general3A_26 = arith.constant dense<0.000000e+00> : vector<1x1000xf32>
    %dot_general3A_27 = tpu.matmul %slice3A_25, %get3A_1, %dot_general3A_26 {dimension_numbers = #tpu.dot_dimension_numbers<[0], [0], [1], [1], [0, 1, 1, 1], [], []>, transpose_lhs_hint = false} : vector<64x1xf32>, vector<64x1000xf32>, vector<1x1000xf32> -> vector<1x1000xf32>
    %slice3A_28 = vector.extract_strided_slice %dot_general3A_19 {offsets = [192, 0], sizes = [64, 1], strides = [1, 1]} : vector<320x1xf32> to vector<64x1xf32>
    %dot_general3A_29 = arith.constant dense<0.000000e+00> : vector<1x1000xf32>
    %dot_general3A_30 = tpu.matmul %slice3A_28, %get3A_1, %dot_general3A_29 {dimension_numbers = #tpu.dot_dimension_numbers<[0], [0], [1], [1], [0, 1, 1, 1], [], []>, transpose_lhs_hint = false} : vector<64x1xf32>, vector<64x1000xf32>, vector<1x1000xf32> -> vector<1x1000xf32>
    %slice3A_31 = vector.extract_strided_slice %dot_general3A_19 {offsets = [256, 0], sizes = [64, 1], strides = [1, 1]} : vector<320x1xf32> to vector<64x1xf32>
    %dot_general3A_32 = arith.constant dense<0.000000e+00> : vector<1x1000xf32>
    %dot_general3A_33 = tpu.matmul %slice3A_31, %get3A_1, %dot_general3A_32 {dimension_numbers = #tpu.dot_dimension_numbers<[0], [0], [1], [1], [0, 1, 1, 1], [], []>, transpose_lhs_hint = false} : vector<64x1xf32>, vector<64x1000xf32>, vector<1x1000xf32> -> vector<1x1000xf32>
    %concatenate3A = tpu.concatenate %dot_general3A_21, %dot_general3A_24, %dot_general3A_27, %dot_general3A_30, %dot_general3A_33 in 0 : vector<1x1000xf32>, vector<1x1000xf32>, vector<1x1000xf32>, vector<1x1000xf32>, vector<1x1000xf32> -> vector<5x1000xf32>
    %iota3A = tpu.iota {dimensions = array<i32: 0>} : vector<5x1000xi32>
    %eq3A = arith.constant 0 : i32
    %eq3A_34 = vector.broadcast %eq3A : i32 to vector<5x1000xi32>
    %eq3A_35 = arith.cmpi eq, %iota3A, %eq3A_34 : vector<5x1000xi32>
    %jit3A = arith.constant 0.000000e+00 : f32
    %broadcast_in_dim3A = vector.broadcast %add3A : f32 to vector<5x1000xf32>
    %broadcast_in_dim3A_36 = vector.broadcast %jit3A : f32 to vector<5x1000xf32>
    %select_n3A = arith.select %eq3A_35, %broadcast_in_dim3A, %broadcast_in_dim3A_36 : vector<5x1000xi1>, vector<5x1000xf32>
    %add3A_37 = arith.addf %concatenate3A, %select_n3A : vector<5x1000xf32>
    %jit3A_38 = arith.constant 0 : i32
    %convert_element_type3A = arith.sitofp %jit3A_38 : i32 to f32
    %pad3A = vector.broadcast %convert_element_type3A : f32 to vector<5x24xf32>
    %pad3A_39 = tpu.concatenate %add3A_37, %pad3A in 1 : vector<5x1000xf32>, vector<5x24xf32> -> vector<5x1024xf32>
    %reshape3A = vector.shape_cast %pad3A_39 : vector<5x1024xf32> to vector<40x128xf32>
    %swap3A = arith.constant 0 : index
    %swap3A_40 = arith.constant 0 : index
    %swap3A_41 = vector.load %arg8[%swap3A, %swap3A_40] : memref<40x128xf32, #tpu.memory_space<vmem>>, vector<40x128xf32>
    tpu.vector_store %arg8[%swap3A, %swap3A_40], %reshape3A {strides = array<i32>} : memref<40x128xf32, #tpu.memory_space<vmem>>, vector<40x128xf32>,
    tpu.enqueue_dma source(%arg8 : memref<40x128xf32, #tpu.memory_space<vmem>>) target(%arg5 : memref<40x128xf32, #tpu.memory_space<hbm>>) target_semaphore(%arg9 : memref<!tpu.dma_semaphore, #tpu.memory_space<semaphore_mem>>)
    tpu.wait_dma2 semaphore(%arg9 : memref<!tpu.dma_semaphore, #tpu.memory_space<semaphore_mem>>) src(%arg8 : memref<40x128xf32, #tpu.memory_space<vmem>>) dst(%arg5 : memref<40x128xf32, #tpu.memory_space<hbm>>)
    return
  }
}

</mosaic_0001>

<sc_bundles>
// kernel: kernel.4.cloned.1.call-start
scs
__scs_entry_jumppad:
0x0: {  	(pc) =	sbr.rel $0x88, $3  }
0x1: {  	(tag) =	ssettag $0x0;
	lr =	simm.s32 $0x1  }
0x2: {  	[smem:$0x3F9B] =	sst lr;
	_ =	strace $0xD0000000  }
0x3: {  	_ = 	snop  }
0x4: {  	_ = 	snop  }
0x5: {  	_ = 	snop  }
0x6: {  	_ = 	snop  }
0x7: {  	_ = 	snop  }
__scs_overlays_trampoline_lowered:
0x8: {  	[smem:$0x3FAA] =	sst s0  }
0x9: {  	[smem:$0x3FAB] =	sst s1  }
0xa: {  	[smem:$0x3FAC] =	sst s2  }
0xb: {  	[smem:$0x3FAD] =	sst s3  }
0xc: {  	[smem:$0x3FAE] =	sst s4  }
0xd: {  	[smem:$0x3FAF] =	sst s5  }
0xe: {  	[smem:$0x3FB0] =	sst s6  }
0xf: {  	[smem:$0x3FB1] =	sst s7  }
0x10: {  	[smem:$0x3FB2] =	sst s8  }
0x11: {  	[smem:$0x3FB3] =	sst s9;
	s0 =	simm.s32 @!p0 $0x0  }
0x12: {  	s1 =	sld [smem:$0x3F99];
	s0 =	simm.s32 @p0 $0x1  }
0x13: {  	[smem:$0x3FB4] =	sst s0;
	s0 =	simm.s32 @!p1 $0x0  }
0x14: {  	s2 =	sld [smem:$0x3F98];
	s0 =	simm.s32 @p1 $0x1  }
0x15: {  	[smem:$0x3FB5] =	sst s0;
	s0 =	simm.s32 @!p2 $0x0  }
0x16: {  	s3 =	sld [smem:$0x3FDB];
	s0 =	simm.s32 @p2 $0x1  }
0x17: {  	s4 =	simm.s32 $0x1BF5;
	[smem:$0x3FB7] =	sst s0  }
0x18: {  	s0 =	sld [smem:$0x3F9A];
	_ =	swait.ge [sflag:s4], $0x0  }
0x19: {  	s7 =	sld [smem:$0x3F9B]  }
0x1a: {  	s8 =	sadd.s32 $0xFFFFE003, lr  }
0x1b: {  	s9 =	sadd.s32 $0xFFFFFEF7, lr;
	s5 =	simm.s32 $0xFFFFFFFF;
	p2 =	slt.u32 s8, $0xFFFFF086  }
0x1c: {  	p1 =	slt.u32 s9, $0xF7A;
	s5 =	simm.s32 @!p2 $0x0  }
0x1d: {  	s5 =	simm.s32 @p1 $0x1;
	p0 =	seq.s32 s7, s2  }
0x1e: {  	s7 =	smul.u32 @!p0 $0xF7A, s2;
	p2 =	seq.s32 @!p0 s5, $0x0  }
0x1f: {  	s9 =	smul.u32 $0xF7A, s1;
	s8 =	simm.s32 @!p0 $0x1BF5;
	p2 =	por !p2, p0  }
0x20: {  	[sflag:s8] =	ssyncset.s32 @!p0 $0xFFFFF086;
	s6 =	sadd.s32 @!p0 s3, s7;
	s7 =	simm.s32 @!p0 $0x108  }
0x21: {  	s3 =	sadd.s32 s3, s9;
	s6 =	sadd.s32 @!p0 $0x88, s6;
	s7 =	simm.s32 @p2 $0x1082  }
0x22: {  	[simem:s7], [sflag:s8] =	dma.local @!p0 [hbm:s6], $0xF7A  }
0x23: {  	s9 =	sor.u32 $0xD0000000, s2;
	s6 =	simm.s32 $0x108;
	_ =	swait.ge @!p0 [sflag:s8], $0x0  }
0x24: {  	s3 =	sadd.s32 $0x88, s3;
	s6 =	simm.s32 @!p1 $0x1082;
	[sflag:s4] =	ssyncset.s32 $0xFFFFF086  }
0x25: {  	[simem:s6], [sflag:s4] =	dma.local [hbm:s3], $0xF7A  }
0x26: {  	[smem:$0x3F9B] =	sst s1;
	(tag) =	ssettag s2;
	_ =	strace s9  }
0x27: {  	s1 =	sld [smem:$0x3FAB]  }
0x28: {  	s2 =	sld [smem:$0x3FAC]  }
0x29: {  	s4 =	sld [smem:$0x3FAE]  }
0x2a: {  	p0 =	seq.s32 s5, $0x0;
	s5 =	sld [smem:$0x3FAF]  }
0x2b: {  	s6 =	sld [smem:$0x3FB0]  }
0x2c: {  	s7 =	sld [smem:$0x3FB1]  }
0x2d: {  	s3 =	simm.s32 $0x108;
	s8 =	sld [smem:$0x3FB2]  }
0x2e: {  	s3 =	simm.s32 @!p0 $0x1082;
	s9 =	sld [smem:$0x3FB3]  }
0x2f: {  	lr =	sadd.s32 s0, s3;
	s0 =	sld [smem:$0x3FAA]  }
0x30: {  	s3 =	sld [smem:$0x3FAD]  }
0x31: {  	[smem:$0x3FB6] =	sst s10  }
0x32: {  	s10 =	sld [smem:$0x3FB4];
	_ =	sdelay $0x3  }
0x33: {  	p0 =	seq.s32 s10, $0x1;
	s10 =	sld [smem:$0x3FB6];
	_ =	sdelay $0x3  }
0x34: {  	[smem:$0x3FB6] =	sst s10  }
0x35: {  	s10 =	sld [smem:$0x3FB5];
	_ =	sdelay $0x3  }
0x36: {  	p1 =	seq.s32 s10, $0x1;
	s10 =	sld [smem:$0x3FB6];
	_ =	sdelay $0x3  }
0x37: {  	[smem:$0x3FB6] =	sst s10  }
0x38: {  	s10 =	sld [smem:$0x3FB7]  }
0x39: {  	_ = 	snop;
	(pc) =	sbr.ind lr, $3  }
0x3a: {  	_ = 	snop  }
0x3b: {  	_ = 	snop  }
0x3c: {  	p2 =	seq.s32 s10, $0x1;
	s10 =	sld [smem:$0x3FB6]  }
0x3d: {  	_ =	shalt  }
0x3e: {  	_ =	shalt  }
0x3f: {  	_ =	shalt  }
0x40: {  	_ =	shalt  }
0x41: {  	_ =	shalt  }
0x42: {  	_ =	shalt  }
0x43: {  	_ =	shalt  }
0x44: {  	_ =	shalt  }
0x45: {  	_ =	shalt  }
0x46: {  	_ =	shalt  }
0x47: {  	_ =	shalt  }
0x48: {  	_ =	shalt  }
0x49: {  	_ =	shalt  }
0x4a: {  	_ =	shalt  }
0x4b: {  	_ =	shalt  }
0x4c: {  	_ =	shalt  }
0x4d: {  	_ =	shalt  }
0x4e: {  	_ =	shalt  }
0x4f: {  	_ =	shalt  }
0x50: {  	_ =	shalt  }
0x51: {  	_ =	shalt  }
0x52: {  	_ =	shalt  }
0x53: {  	_ =	shalt  }
0x54: {  	_ =	shalt  }
0x55: {  	_ =	shalt  }
0x56: {  	_ =	shalt  }
0x57: {  	_ =	shalt  }
0x58: {  	_ =	shalt  }
0x59: {  	_ =	shalt  }
0x5a: {  	_ =	shalt  }
0x5b: {  	_ =	shalt  }
0x5c: {  	_ =	shalt  }
0x5d: {  	_ =	shalt  }
0x5e: {  	_ =	shalt  }
0x5f: {  	_ =	shalt  }
0x60: {  	_ =	shalt  }
0x61: {  	_ =	shalt  }
0x62: {  	_ =	shalt  }
0x63: {  	_ =	shalt  }
0x64: {  	_ =	shalt  }
0x65: {  	_ =	shalt  }
0x66: {  	_ =	shalt  }
0x67: {  	_ =	shalt  }
0x68: {  	_ =	shalt  }
0x69: {  	_ =	shalt  }
0x6a: {  	_ =	shalt  }
0x6b: {  	_ =	shalt  }
0x6c: {  	_ =	shalt  }
0x6d: {  	_ =	shalt  }
0x6e: {  	_ =	shalt  }
0x6f: {  	_ =	shalt  }
0x70: {  	_ =	shalt  }
0x71: {  	_ =	shalt  }
0x72: {  	_ =	shalt  }
0x73: {  	_ =	shalt  }
0x74: {  	_ =	shalt  }
0x75: {  	_ =	shalt  }
0x76: {  	_ =	shalt  }
0x77: {  	_ =	shalt  }
0x78: {  	_ =	shalt  }
0x79: {  	_ =	shalt  }
0x7a: {  	_ =	shalt  }
0x7b: {  	_ =	shalt  }
0x7c: {  	_ =	shalt  }
0x7d: {  	_ =	shalt  }
0x7e: {  	_ =	shalt  }
0x7f: {  	_ =	shalt  }
0x80: {  	_ =	shalt  }
0x81: {  	_ =	shalt  }
0x82: {  	_ =	shalt  }
0x83: {  	_ =	shalt  }
0x84: {  	_ =	shalt  }
0x85: {  	_ =	shalt  }
0x86: {  	_ =	shalt  }
0x87: {  	_ =	shalt  }
.Lfunc_end0:
.L_simem_size_0:
called_computation_lowered:
.L_overlay_start_0:
0x88: {  	s2 =	sld [smem:$0x3FD9]  }
0x89: {  	s3 =	sld [smem:$0x3FFE];
	_ =	sdelay $0x1  }
0x8a: {  	s1 =	srdreg.scid  }
0x8b: {  	s0 =	sand.u32 $0x1, s1  }
0x8c: {  	s17 =	sshll.u32 s0, $0xA;
	s2 =	sadd.s32 s3, s2  }
0x8d: {  	s2 =	sadd.s32 s2, s17  }
0x8e: {  	[smem:$0x3FC2] =	sst s2  }
0x8f: {  	_ = 	snop  }
0x90: {  	s2 =	sld [smem:$0x3FC9]  }
0x91: {  	s18 =	sld [smem:$0x3FD0];
	(tm) =	ssettm $0x1  }
0x92: {  	s4 =	sld [smem:$0x3FFB];
	_ =	sdelay $0x3  }
0x93: {  	_ =	strace s4  }
0x94: {  	s4 =	sld [smem:$0x3FFC];
	_ =	sdelay $0x3  }
0x95: {  	_ =	strace s4  }
0x96: {  	s4 =	sld [smem:$0x3FFD];
	_ =	sdelay $0x3  }
0x97: {  	_ =	strace s4  }
0x98: {  	_ =	strace $0x8FFFFFFF  }
0x99: {  	s19 =	sld [smem:$0x3FDB];
	_ =	sdelay $0x1  }
0x9a: {  	s5 =	simm.s32 $_scs_section_size  }
0x9b: {  	s6 =	simm.s32 $_size__tile_overlayer_lowered;
	s7 =	simm.s32 $_tile_overlayer_lowered  }
0x9c: {  	s22 =	simm.s32 $0x1BFF;
	s21 =	sshll.u32 s7, $0x1;
	s4 =	sadd.s32 s5, s19  }
0x9d: {  	s8 =	simm.s32 $0x0;
	s20 =	sshll.u32 s6, $0x1;
	s6 =	sadd.s32 s21, s4  }
0x9e: {  	[timem:s8], [sflag:s22] =	dma.local [hbm:s6], s20  }
0x9f: {  	_ =	swait.ge [sflag:s22], s20  }
0xa0: {  	s5 =	ssub.s32 $0x0, s20;
	[sflag:s22] =	ssyncset.done $0x0  }
0xa1: {  	[sflag:s22] =	ssyncadd.s32 s5;
	_ =	sdelay $0x1  }
0xa2: {  	s23 =	simm.s32 $0x1B8B  }
0xa3: {  	_ =	swait.ge [sflag:s23], $0x1  }
0xa4: {  	[sflag:s23] =	ssyncset.done $0x0  }
0xa5: {  	s25 =	simm.s32 $0x1B8E;
	s24 =	sld [smem:$0x3FFE];
	[sflag:s23] =	ssyncadd.s32 $0xFFFFFFFF  }
0xa6: {  	s26 =	simm.s32 $execute0_lowered;
	[smem:$0x3FD2] =	sst s25  }
0xa7: {  	s6 =	sshll.u32 s26, $0x1;
	_ =	strace $0x80000046;
	[dreg:$0x1] =	wrdreg $0xFFFFFFFF  }
0xa8: {  	s28 =	simm.s32 $_size_execute0_lowered;
	s4 =	sadd.s32 s4, s6;
	[dreg:$0x0] =	wrdreg $0x0  }
0xa9: {  	s6 =	sshll.u32 s28, $0x1;
	[dreg:$0x2] =	wrdreg s4  }
0xaa: {  	[dreg:$0x3] =	wrdreg s6  }
0xab: {  	[dreg:$0x4] =	wrdreg $0xC0  }
0xac: {  	_ =	task [dreg:s8], $0x5FFFF  }
0xad: {  	[dreg:$0x1] =	wrdreg $0xFFFFFFFF  }
0xae: {  	[dreg:$0x0] =	wrdreg $0x60  }
0xaf: {  	[dreg:$0x2] =	wrdreg s2  }
0xb0: {  	[dreg:$0x3] =	wrdreg s24  }
0xb1: {  	[dreg:$0x4] =	wrdreg s18  }
0xb2: {  	[dreg:$0x5] =	wrdreg $0x9  }
0xb3: {  	_ =	task.clear_ibuf [dreg:s8], $0x6FFFF;
	_ =	strace $0x90000046  }
0xb4: {  	s29 =	simm.s32 $0x9;
	_ =	strace $0x80000048  }
0xb5: {  	_ =	swait.ge [sflag:s29], $0x1  }
0xb6: {  	[sflag:s29] =	ssyncadd.s32 $0xFFFFFFFF  }
0xb7: {  	_ =	strace $0x90000048  }
0xb8: {  	_ =	sfence  }
0xb9: {  	s30 =	sld [smem:$0x0];
	_ =	sdelay $0x2  }
0xba: {  	s31 =	sshll.u32 s1, $0xD;
	s1 =	sshrl.u32 s1, $0x2  }
0xbb: {  	s3 =	sand.u32 $0x4000, s31;
	s1 =	sadd.s32 s1, s30  }
0xbc: {  	s0 =	sor.u32 s3, s0;
	s1 =	sshll.u32 s1, $0x11  }
0xbd: {  	s0 =	sor.u32 s1, s0  }
0xbe: {  	s0 =	sadd.s32 $0x8F2B, s0  }
0xbf: {  	[sflag:s0] =	ssyncadd.remote.s32 $0x1  }
0xc0: {  	_ =	sfence.sel $0xFFFF  }
0xc1: {  	[dreg:$0x0] =	wrdreg $0xFFFFFFFF;
	(pc) =	sbr.abs _section_cstart, $3  }
0xc2: {  	[dreg:$0x1] =	wrdreg $0xFFFFFFFF  }
0xc3: {  	_ =	task.clear_ibuf [dreg:s8], $0x2FFFF;
	_ =	strace $0x9FFFFFFF  }
0xc4: {  	(tm) =	ssettm $0x7FFFFFFF  }
0xc5: {  	_ =	shalt  }
tec
execute0_lowered:
.L_overlay_start_1:
0x0: {  	(tag) =	ssettag $0x1  }
0x1: {  	s4 =	rddreg [dreg:$0x0]  }
0x2: {  	s9 =	rddreg [dreg:$0x1]  }
0x3: {  	s10 =	rddreg [dreg:$0x2]  }
0x4: {  	s0 =	rddreg [dreg:$0x3];
	s2 =	simm.s32 $0x0;
	s3 =	srdreg.scid  }
0x5: {  	s1 =	stileid.u32;
	s13 =	simm.s32 $0x8000;
	s14 =	simm.s32 $0x1800  }
0x6: {  	s15 =	simm.s32 $0x1C00;
	s16 =	simm.s32 $0x2000;
	s17 =	simm.s32 $0x2400  }
0x7: {  	s18 =	simm.s32 $0x2800;
	s19 =	simm.s32 $0x2C00;
	s20 =	simm.s32 $0x1  }
0x8: {  	s21 =	simm.s32 $0x3000;
	s23 =	simm.s32 $0x4400;
	s24 =	simm.s32 $0x2  }
0x9: {  	s25 =	simm.s32 $0x0;
	[smem:$0x7FF] =	sst s2;
	s3 =	sand.u32 $0x1, s3  }
0xa: {  	s6 =	sshll.u32 s1, $0x8;
	s8 =	sadd.s32 $0xB80, s9;
	s5 =	ssub.s32 $0x2, s3  }
0xb: {  	s3 =	sshll.u32 s3, $0x7;
	_ =	strace $0x80000047;
	s7 =	sshrl.u32 s5, $0x1  }
0xc: {  	s11 =	sor.u32 s3, s6;
	s3 =	sadd.s32 $0xA00, s9;
	s6 =	sadd.s32 $0xA80, s9  }
0xd: {  	s12 =	ssub.s32 s5, s7;
	s4 =	sadd.s32 s4, s11;
	s7 =	sadd.s32 $0xB00, s9  }
0xe: {  	s9 =	sadd.s32 $0xC00, s9;
	s10 =	sadd.s32 s10, s11;
	s5 =	sadd.s32 $0x6000, s4  }
0xf: {  	s11 =	smax.u32 s12, $0x1;
	s12 =	simm.s32 $0x400;
	s22 =	sadd.s32 $0x5000, s10  }
.LBB2_1:
0x10: {  	[tilespmem:s2], [sflag:$0x1] =	stream.strided.gather [hbm4b:s4+s12], $0x1800, s13, s12, $0x38;
	[tilespmem:$0x4800] =	vst v63  }
0x11: {  	_ = 	snop  }
0x12: {  	[tilespmem:s14], [sflag:$0x1] =	stream.linear.gather [hbm4b:s5+s2], $0x100, $0x38;
	[tilespmem:$0x4800] =	vst v63  }
0x13: {  	_ = 	snop  }
0x14: {  	[tilespmem:s15], [sflag:$0x1] =	stream.linear.gather [hbm4b:s3+s2], $0x400, $0x38;
	[tilespmem:$0x4800] =	vst v63  }
0x15: {  	_ = 	snop  }
0x16: {  	[tilespmem:s16], [sflag:$0x1] =	stream.linear.gather [hbm4b:s6+s2], $0x400, $0x38;
	[tilespmem:$0x4800] =	vst v63  }
0x17: {  	_ = 	snop  }
0x18: {  	[tilespmem:s17], [sflag:$0x1] =	stream.linear.gather [hbm4b:s7+s2], $0x400, $0x38;
	[tilespmem:$0x4800] =	vst v63  }
0x19: {  	_ = 	snop  }
0x1a: {  	[tilespmem:s18], [sflag:$0x1] =	stream.linear.gather [hbm4b:s8+s2], $0x400, $0x38;
	[tilespmem:$0x4800] =	vst v63  }
0x1b: {  	_ = 	snop  }
0x1c: {  	[tilespmem:s19], [sflag:$0x1] =	stream.linear.gather [hbm4b:s9+s2], $0x400, $0x38;
	[tilespmem:$0x4800] =	vst v63  }
0x1d: {  	_ =	swait.ge [sflag:s20], $0x1900  }
0x1e: {  	[sflag:s20] =	ssyncset.done $0x0  }
0x1f: {  	[sflag:s20] =	ssyncadd.s32 $0xFFFFE700  }
0x20: {  	_ =	swait.ge [sflag:s20], $0x400  }
0x21: {  	[sflag:s20] =	ssyncset.done $0x0  }
0x22: {  	[sflag:s20] =	ssyncadd.s32 $0xFFFFFC00  }
0x23: {  	_ =	swait.ge [sflag:s20], $0x400  }
0x24: {  	[sflag:s20] =	ssyncset.done $0x0  }
0x25: {  	[sflag:s20] =	ssyncadd.s32 $0xFFFFFC00  }
0x26: {  	_ =	swait.ge [sflag:s20], $0x400  }
0x27: {  	[sflag:s20] =	ssyncset.done $0x0  }
0x28: {  	[sflag:s20] =	ssyncadd.s32 $0xFFFFFC00  }
0x29: {  	_ =	swait.ge [sflag:s20], $0x400  }
0x2a: {  	[sflag:s20] =	ssyncset.done $0x0  }
0x2b: {  	[sflag:s20] =	ssyncadd.s32 $0xFFFFFC00  }
0x2c: {  	_ =	swait.ge [sflag:s20], $0x400  }
0x2d: {  	[sflag:s20] =	ssyncset.done $0x0  }
0x2e: {  	s26 =	simm.s32 $0x180;
	[sflag:s20] =	ssyncadd.s32 $0xFFFFFC00  }
0x2f: {  	v1 =	vld [tilespmem:s26+$0xFFFFFF70]  }
0x30: {  	v4 =	vld [tilespmem:s26+$0xFFFFFFF0]  }
0x31: {  	v7 =	vld [tilespmem:s26+$0x70]  }
0x32: {  	v8 =	vld [tilespmem:s26+$0xF0]  }
0x33: {  	v9 =	vld [tilespmem:s26+$0xFFFFFF00]  }
0x34: {  	v18 =	vld [tilespmem:s26+$0xFFFFFF80]  }
0x35: {  	v19 =	vld [tilespmem:s26+$0x0]  }
0x36: {  	v3 =	vld [tilespmem:s26+$0x170]  }
0x37: {  	v5 =	vld [tilespmem:s26+$0x80]  }
0x38: {  	v24 =	vld [tilespmem:s26+$0xFFFFFE90]  }
0x39: {  	v25 =	vld [tilespmem:s26+$0xFFFFFF10]  }
0x3a: {  	v27 =	vld [tilespmem:s26+$0xFFFFFF90]  }
0x3b: {  	v28 =	vld [tilespmem:s26+$0x10]  }
0x3c: {  	v29 =	vld [tilespmem:s26+$0xFFFFFEA0]  }
0x3d: {  	v30 =	vld [tilespmem:s26+$0xFFFFFF20]  }
0x3e: {  	v31 =	vld [tilespmem:s26+$0xFFFFFFA0]  }
0x3f: {  	v32 =	vld [tilespmem:s26+$0x20]  }
0x40: {  	v6 =	vld [tilespmem:s26+$0xA0]  }
0x41: {  	v33 =	vld [tilespmem:s26+$0xFFFFFEB0]  }
0x42: {  	v34 =	vld [tilespmem:s26+$0xFFFFFF30]  }
0x43: {  	v35 =	vld [tilespmem:s26+$0xFFFFFFB0]  }
0x44: {  	v36 =	vld [tilespmem:s26+$0x30]  }
0x45: {  	v10 =	vld [tilespmem:s26+$0xB0]  }
0x46: {  	v37 =	vld [tilespmem:s26+$0xFFFFFEC0]  }
0x47: {  	v38 =	vld [tilespmem:s26+$0xFFFFFF40]  }
0x48: {  	v39 =	vld [tilespmem:s26+$0xFFFFFFC0]  }
0x49: {  	v40 =	vld [tilespmem:s26+$0x40]  }
0x4a: {  	v11 =	vld [tilespmem:s26+$0xC0]  }
0x4b: {  	v41 =	vld [tilespmem:s26+$0xFFFFFED0]  }
0x4c: {  	v42 =	vld [tilespmem:s26+$0xFFFFFF50]  }
0x4d: {  	v43 =	vld [tilespmem:s26+$0xFFFFFFD0]  }
0x4e: {  	v44 =	vld [tilespmem:s26+$0x50]  }
0x4f: {  	v13 =	vld [tilespmem:s26+$0xD0]  }
0x50: {  	v45 =	vld [tilespmem:s26+$0xFFFFFEE0]  }
0x51: {  	v46 =	vld [tilespmem:s26+$0xFFFFFF60]  }
0x52: {  	v47 =	vld [tilespmem:s26+$0xFFFFFFE0]  }
0x53: {  	v48 =	vld [tilespmem:s26+$0x60]  }
0x54: {  	v14 =	vld [tilespmem:s26+$0xE0]  }
0x55: {  	v49 =	vld [tilespmem:s26+$0xFFFFFEF0]  }
0x56: {  	v50 =	vld [tilespmem:s26+$0xFFFFFF70]  }
0x57: {  	v51 =	vld [tilespmem:s26+$0xFFFFFF00]  }
0x58: {  	v52 =	vld [tilespmem:s26+$0xFFFFFF10]  }
0x59: {  	v53 =	vld [tilespmem:s26+$0xFFFFFF20]  }
0x5a: {  	v54 =	vld [tilespmem:s26+$0xFFFFFF30]  }
0x5b: {  	v55 =	vld [tilespmem:s26+$0xFFFFFF40]  }
0x5c: {  	v56 =	vld [tilespmem:s26+$0xFFFFFF50]  }
0x5d: {  	v57 =	vld [tilespmem:s26+$0xFFFFFF60]  }
0x5e: {  	v58 =	vld [tilespmem:s26+$0xFFFFFE80]  }
0x5f: {  	v17 =	vld [tilespmem:s26+$0x100]  }
0x60: {  	v16 =	vld [tilespmem:s26+$0x110]  }
0x61: {  	v15 =	vld [tilespmem:s26+$0x120]  }
0x62: {  	v12 =	vld [tilespmem:s26+$0x130]  }
0x63: {  	v0 =	vld [tilespmem:s26+$0x140]  }
0x64: {  	v20 =	vld.idx.msk [tilespmem:v1+s15+$0x0], $0xffff  }
0x65: {  	v21 =	vld.idx.msk [tilespmem:v4+s16+$0x0], $0xffff  }
0x66: {  	v22 =	vld.idx.msk [tilespmem:v7+s17+$0x0], $0xffff  }
0x67: {  	v23 =	vld.idx.msk [tilespmem:v8+s18+$0x0], $0xffff  }
0x68: {  	v26 =	vld.idx.msk [tilespmem:v3+s19+$0x0], $0xffff  }
0x69: {  	v3 =	vld [tilespmem:s26+$0x90];
	[tilespmem:$0x1FFD0] =	vst v0  }
0x6a: {  	v0 =	vld [tilespmem:s26+$0x150];
	_ =	sdelay $0x4  }
0x6b: {  	[tilespmem:$0x1FFE0] =	vst v0  }
0x6c: {  	v0 =	vld [tilespmem:s26+$0x160];
	_ =	sdelay $0x4  }
0x6d: {  	[tilespmem:$0x1FFF0] =	vst v0  }
0x6e: {  	v58 =	vld.idx.msk [tilespmem:v58+s15+$0x0], $0xffff  }
0x6f: {  	v9 =	vld.idx.msk [tilespmem:v9+s16+$0x0], $0xffff  }
0x70: {  	v59 =	vld.idx.msk [tilespmem:v18+s17+$0x0], $0xffff  }
0x71: {  	v60 =	vld.idx.msk [tilespmem:v19+s18+$0x0], $0xffff  }
0x72: {  	v24 =	vld.idx.msk [tilespmem:v24+s15+$0x0], $0xffff  }
0x73: {  	v25 =	vld.idx.msk [tilespmem:v25+s16+$0x0], $0xffff  }
0x74: {  	v61 =	vld.idx.msk [tilespmem:v27+s17+$0x0], $0xffff  }
0x75: {  	v62 =	vld.idx.msk [tilespmem:v28+s18+$0x0], $0xffff  }
0x76: {  	v29 =	vld.idx.msk [tilespmem:v29+s15+$0x0], $0xffff  }
0x77: {  	v30 =	vld.idx.msk [tilespmem:v30+s16+$0x0], $0xffff  }
0x78: {  	v63 =	vld.idx.msk [tilespmem:v31+s17+$0x0], $0xffff  }
0x79: {  	v33 =	vld.idx.msk [tilespmem:v33+s15+$0x0], $0xffff  }
0x7a: {  	v34 =	vld.idx.msk [tilespmem:v34+s16+$0x0], $0xffff  }
0x7b: {  	v37 =	vld.idx.msk [tilespmem:v37+s15+$0x0], $0xffff  }
0x7c: {  	v38 =	vld.idx.msk [tilespmem:v38+s16+$0x0], $0xffff  }
0x7d: {  	v41 =	vld.idx.msk [tilespmem:v41+s15+$0x0], $0xffff  }
0x7e: {  	v42 =	vld.idx.msk [tilespmem:v42+s16+$0x0], $0xffff  }
0x7f: {  	v45 =	vld.idx.msk [tilespmem:v45+s15+$0x0], $0xffff  }
0x80: {  	v46 =	vld.idx.msk [tilespmem:v46+s16+$0x0], $0xffff  }
0x81: {  	v49 =	vld.idx.msk [tilespmem:v49+s15+$0x0], $0xffff  }
0x82: {  	v50 =	vld.idx.msk [tilespmem:v50+s16+$0x0], $0xffff  }
0x83: {  	v4 =	vld.idx.msk [tilespmem:v4+s17+$0x0], $0xffff  }
0x84: {  	v7 =	vld.idx.msk [tilespmem:v7+s18+$0x0], $0xffff  }
0x85: {  	v51 =	vld.idx.msk [tilespmem:v51+s15+$0x0], $0xffff  }
0x86: {  	v18 =	vld.idx.msk [tilespmem:v18+s16+$0x0], $0xffff  }
0x87: {  	v19 =	vld.idx.msk [tilespmem:v19+s17+$0x0], $0xffff  }
0x88: {  	v52 =	vld.idx.msk [tilespmem:v52+s15+$0x0], $0xffff  }
0x89: {  	v27 =	vld.idx.msk [tilespmem:v27+s16+$0x0], $0xffff  }
0x8a: {  	v28 =	vld.idx.msk [tilespmem:v28+s17+$0x0], $0xffff  }
0x8b: {  	v53 =	vld.idx.msk [tilespmem:v53+s15+$0x0], $0xffff  }
0x8c: {  	v1 =	vld.idx.msk [tilespmem:v32+s18+$0x0], $0xffff  }
0x8d: {  	v2 =	vld.idx.msk [tilespmem:v35+s17+$0x0], $0xffff  }
0x8e: {  	v20 =	vadd.f32 v21, v20;
	v21 =	vadd.f32 v23, v22;
	v22 =	vld.idx.msk [tilespmem:v31+s16+$0x0], $0xffff  }
0x8f: {  	v23 =	vld.idx.msk [tilespmem:v36+s18+$0x0], $0xffff  }
0x90: {  	v20 =	vadd.f32 v21, v20;
	v21 =	vld.idx.msk [tilespmem:v32+s17+$0x0], $0xffff  }
0x91: {  	v31 =	vld.idx.msk [tilespmem:v39+s17+$0x0], $0xffff  }
0x92: {  	v20 =	vadd.f32 v26, v20;
	v26 =	vld.idx.msk [tilespmem:v54+s15+$0x0], $0xffff  }
0x93: {  	v32 =	vld.idx.msk [tilespmem:v35+s16+$0x0], $0xffff  }
0x94: {  	v35 =	vld.idx.msk [tilespmem:v36+s17+$0x0], $0xffff  }
0x95: {  	v20 =	vsub.f32 $0.0e+00, v20;
	v36 =	vld.idx.msk [tilespmem:v40+s18+$0x0], $0xffff  }
0x96: {  	v54 =	vld.idx.msk [tilespmem:v43+s17+$0x0], $0xffff  }
0x97: {  	v20 =	vmul.f32 $1.442695020e+00, v20;
	v0 =	vld.idx.msk [tilespmem:v44+s18+$0x0], $0xffff  }
0x98: {  	v57 =	vld.idx.msk [tilespmem:v57+s15+$0x0], $0xffff  }
0x99: {  	(erf) = vpow2.f32 v20;
	v20 =	vld.idx.msk [tilespmem:v47+s17+$0x0], $0xffff;
	v9 =	vadd.f32 v9, v58  }
0x9a: {  	v58 =	vadd.f32 v60, v59;
	v59 =	vld.idx.msk [tilespmem:v48+s18+$0x0], $0xffff;
	v24 =	vadd.f32 v25, v24  }
0x9b: {  	v25 =	vadd.f32 v62, v61;
	v60 =	vld.idx.msk [tilespmem:v5+s18+$0x0], $0xffff;
	v62 =	vadd.f32 v30, v29  }
0x9c: {  	v61 =	vld.idx.msk [tilespmem:v3+s18+$0x0], $0xffff;
	v1 =	vadd.f32 v1, v63;
	v63 =	vadd.f32 v34, v33  }
0x9d: {  	v29 =	vld.idx.msk [tilespmem:v10+s18+$0x0], $0xffff;
	v2 =	vadd.f32 v23, v2;
	v38 =	vadd.f32 v38, v37  }
0x9e: {  	v23 =	vld.idx.msk [tilespmem:v55+s15+$0x0], $0xffff;
	v31 =	vadd.f32 v36, v31;
	v0 =	vadd.f32 v0, v54  }
0x9f: {  	v34 =	vld.idx.msk [tilespmem:v39+s16+$0x0], $0xffff;
	v4 =	vadd.f32 v7, v4;
	v7 =	vadd.f32 v18, v51  }
0xa0: {  	v22 =	vadd.f32 v22, v53;
	v58 =	vadd.f32 v58, v9;
	v9 =	vld.idx.msk [tilespmem:v6+s18+$0x0], $0xffff  }
0xa1: {  	v24 =	vadd.f32 v25, v24;
	v25 =	vadd.f32 v2, v63;
	v2 =	vld.idx.msk [tilespmem:v40+s17+$0x0], $0xffff  }
0xa2: {  	v30 =	vadd.f32 v31, v38;
	v63 =	vld.idx.msk [tilespmem:v11+s18+$0x0], $0xffff;
	v18 =	vadd.f32 v60, v19;
	v55 =	vpop (erf)  }
0xa3: {  	v37 =	vld.idx.msk [tilespmem:v56+s15+$0x0], $0xffff;
	v20 =	vadd.f32 v59, v20;
	v31 =	vadd.f32 $1.000000000e+00, v55  }
0xa4: {  	v54 =	vld.idx.msk [tilespmem:v43+s16+$0x0], $0xffff;
	v55 =	vadd.f32 v50, v49;
	v60 =	vadd.f32 v18, v7  }
0xa5: {  	v5 =	vld.idx.msk [tilespmem:v5+s19+$0x0], $0xffff;
	v7 =	vadd.f32 v61, v28;
	v9 =	vadd.f32 v9, v21  }
0xa6: {  	v10 =	vld.idx.msk [tilespmem:v10+s19+$0x0], $0xffff;
	v59 =	vadd.f32 v4, v55;
	v4 =	vadd.f32 v27, v52  }
0xa7: {  	v2 =	vadd.f32 v63, v2;
	v63 =	vld.idx.msk [tilespmem:v3+s19+$0x0], $0xffff  }
0xa8: {  	v3 =	vadd.f32 v7, v4;
	v4 =	vadd.f32 v9, v22;
	v22 =	vld.idx.msk [tilespmem:v6+s19+$0x0], $0xffff  }
0xa9: {  	v11 =	vld.idx.msk [tilespmem:v11+s19+$0x0], $0xffff  }
0xaa: {  	v19 =	vld.idx.msk [tilespmem:v13+s18+$0x0], $0xffff  }
0xab: {  	v1 =	vadd.f32 v1, v62;
	v13 =	vld.idx.msk [tilespmem:v13+s19+$0x0], $0xffff;
	v5 =	vadd.f32 v5, v58  }
0xac: {  	v56 =	vld.idx.msk [tilespmem:v44+s17+$0x0], $0xffff;
	v62 =	vadd.f32 v42, v41  }
0xad: {  	v61 =	vld.idx.msk [tilespmem:v48+s17+$0x0], $0xffff;
	v5 =	vsub.f32 $0.0e+00, v5;
	v1 =	vadd.f32 v22, v1  }
0xae: {  	v0 =	vadd.f32 v0, v62;
	v22 =	vld.idx.msk [tilespmem:v17+s19+$0x0], $0xffff;
	v17 =	vadd.f32 v10, v25  }
0xaf: {  	v21 =	vld.idx.msk [tilespmem:v14+s18+$0x0], $0xffff;
	v10 =	vmul.f32 $1.442695020e+00, v5;
	v5 =	vadd.f32 v11, v30;
	v1 =	vsub.f32 $0.0e+00, v1  }
0xb0: {  	(erf) = vrcp.f32 v31;
	v13 =	vadd.f32 v13, v0;
	v0 =	vld.idx.msk [tilespmem:v12+s19+$0x0], $0xffff  }
0xb1: {  	v12 =	vmul.f32 $1.442695020e+00, v1;
	v1 =	vsub.f32 $0.0e+00, v5;
	v5 =	vld [tilespmem:$0x1FFD0]  }
0xb2: {  	v46 =	vadd.f32 v46, v45;
	v23 =	vadd.f32 v34, v23;
	v18 =	vld.idx.msk [tilespmem:v47+s16+$0x0], $0xffff;
	_ =	sdelay $0x1  }
0xb3: {  	v20 =	vadd.f32 v20, v46;
	v14 =	vld.idx.msk [tilespmem:v14+s19+$0x0], $0xffff;
	v9 =	vadd.f32 v2, v23  }
0xb4: {  	v2 =	vadd.f32 v54, v37;
	v6 =	vadd.f32 v19, v56  }
0xb5: {  	v19 =	vadd.f32 v21, v61;
	v21 =	vadd.f32 v63, v24  }
0xb6: {  	v18 =	vadd.f32 v18, v57  }
0xb7: {  	v23 =	vld.idx.msk [tilespmem:v8+s19+$0x0], $0xffff;
	v2 =	vadd.f32 v6, v2;
	v8 =	vsub.f32 $0.0e+00, v21  }
0xb8: {  	s26 =	simm.s32 $0x3080;
	v6 =	vadd.f32 v19, v18;
	v19 =	vadd.f32 v14, v20;
	v20 =	vpop (erf);
	v14 =	vld.idx.msk [tilespmem:v5+s19+$0x0], $0xffff  }
0xb9: {  	v11 =	vmul.f32 $1.442695020e+00, v8;
	v5 =	vld [tilespmem:$0x1FFE0];
	[tilespmem:s26+$0x70] =	vst v20  }
0xba: {  	v8 =	vsub.f32 $0.0e+00, v17;
	v17 =	vsub.f32 $0.0e+00, v13;
	v13 =	vmul.f32 $1.442695020e+00, v1;
	v1 =	vld [tilespmem:$0x1FFF0];
	_ =	sdelay $0x3  }
0xbb: {  	v16 =	vld.idx.msk [tilespmem:v16+s19+$0x0], $0xffff  }
0xbc: {  	v15 =	vld.idx.msk [tilespmem:v15+s19+$0x0], $0xffff;
	v26 =	vadd.f32 v32, v26;
	v62 =	vadd.f32 v29, v35;
	_ =	sdelay $0x1  }
0xbd: {  	v7 =	vadd.f32 v62, v26;
	v18 =	vadd.f32 v23, v59;
	v5 =	vld.idx.msk [tilespmem:v5+s19+$0x0], $0xffff  }
0xbe: {  	s28 =	simm.s32 $0x0;
	s29 =	simm.s32 $0x280;
	v19 =	vsub.f32 $0.0e+00, v19;
	v8 =	vmul.f32 $1.442695020e+00, v8;
	v20 =	vadd.f32 v22, v60;
	v1 =	vld.idx.msk [tilespmem:v1+s19+$0x0], $0xffff  }
.LBB2_2:
0xbf: {  	v21 =	vld [tilespmem:s29+$0xFFFFFF70];
	v22 =	vmul.f32 $1.442695020e+00, v17;
	v17 =	vsub.f32 $0.0e+00, v18;
	v16 =	vadd.f32 v16, v3  }
0xc0: {  	v15 =	vadd.f32 v15, v4;
	v3 =	vld [tilespmem:s29+$0xFFFFFFF0];
	v18 =	vmul.f32 $1.442695020e+00, v19;
	v19 =	vsub.f32 $0.0e+00, v20  }
0xc1: {  	v7 =	vadd.f32 v0, v7;
	v4 =	vld [tilespmem:s29+$0x70];
	v20 =	vmul.f32 $1.442695020e+00, v17;
	v16 =	vsub.f32 $0.0e+00, v16  }
0xc2: {  	s28 =	sadd.s32 $0x10, s28;
	v15 =	vsub.f32 $0.0e+00, v15;
	v9 =	vadd.f32 v14, v9;
	v0 =	vld [tilespmem:s29+$0xF0];
	v19 =	vmul.f32 $1.442695020e+00, v19  }
0xc3: {  	p0 =	slt.u32 s28, $0x160;
	v2 =	vadd.f32 v5, v2;
	v17 =	vld [tilespmem:s29+$0xFFFFFF00];
	v14 =	vmul.f32 $1.442695020e+00, v16;
	v16 =	vsub.f32 $0.0e+00, v7  }
0xc4: {  	v15 =	vmul.f32 $1.442695020e+00, v15;
	v9 =	vsub.f32 $0.0e+00, v9;
	v1 =	vadd.f32 v1, v6;
	v5 =	vld [tilespmem:s29+$0xFFFFFF80]  }
0xc5: {  	v2 =	vsub.f32 $0.0e+00, v2;
	v7 =	vld [tilespmem:s29+$0x0];
	v6 =	vmul.f32 $1.442695020e+00, v16;
	(erf) = vpow2.f32 v10  }
0xc6: {  	v16 =	vmul.f32 $1.442695020e+00, v9;
	v1 =	vsub.f32 $0.0e+00, v1;
	v10 =	vld [tilespmem:s29+$0x170];
	(erf) = vpow2.f32 v11  }
0xc7: {  	v11 =	vld.idx.msk [tilespmem:v21+s15+$0x0], $0xffff;
	v21 =	vmul.f32 $1.442695020e+00, v2;
	(erf) = vpow2.f32 v12  }
0xc8: {  	v12 =	vmul.f32 $1.442695020e+00, v1;
	v2 =	vld.idx.msk [tilespmem:v3+s16+$0x0], $0xffff;
	(erf) = vpow2.f32 v8  }
0xc9: {  	v8 =	vld.idx.msk [tilespmem:v4+s17+$0x0], $0xffff;
	(erf) = vpow2.f32 v13  }
0xca: {  	v13 =	vld.idx.msk [tilespmem:v0+s18+$0x0], $0xffff;
	(erf) = vpow2.f32 v22  }
0xcb: {  	v1 =	vld [tilespmem:s29+$0x80];
	(erf) = vpow2.f32 v18  }
0xcc: {  	v31 =	vld [tilespmem:s29+$0xFFFFFE90];
	(erf) = vpow2.f32 v20  }
0xcd: {  	v32 =	vld [tilespmem:s29+$0xFFFFFF10];
	(erf) = vpow2.f32 v19  }
0xce: {  	v18 =	vld.idx.msk [tilespmem:v10+s19+$0x0], $0xffff;
	v10 =	vpop (erf);
	(erf) = vpow2.f32 v14  }
0xcf: {  	v9 =	vld [tilespmem:s29+$0xFFFFFF90];
	v14 =	vadd.f32 $1.000000000e+00, v10;
	v19 =	vpop (erf);
	(erf) = vpow2.f32 v15  }
0xd0: {  	v20 =	vadd.f32 v2, v11;
	v8 =	vadd.f32 v13, v8;
	v10 =	vld [tilespmem:s29+$0x10];
	v13 =	vpop (erf);
	(erf) = vpow2.f32 v6  }
0xd1: {  	v6 =	vadd.f32 $1.000000000e+00, v19;
	v2 =	vld [tilespmem:s29+$0x90];
	v15 =	vadd.f32 $1.000000000e+00, v13;
	v13 =	vpop (erf);
	(erf) = vpow2.f32 v16  }
0xd2: {  	v8 =	vadd.f32 v8, v20;
	v34 =	vld [tilespmem:s29+$0xFFFFFEA0];
	v16 =	vadd.f32 $1.000000000e+00, v13;
	v11 =	vpop (erf);
	(erf) = vpow2.f32 v21  }
0xd3: {  	v35 =	vld [tilespmem:s29+$0xFFFFFF20];
	v19 =	vadd.f32 $1.000000000e+00, v11;
	v13 =	vpop (erf);
	(erf) = vpow2.f32 v12  }
0xd4: {  	v8 =	vadd.f32 v18, v8;
	v11 =	vld [tilespmem:s29+$0xFFFFFFA0];
	v12 =	vadd.f32 $1.000000000e+00, v13;
	(erf) = vrcp.f32 v14;
	v14 =	vpop (erf)  }
0xd5: {  	v13 =	vld [tilespmem:s29+$0x20];
	v18 =	vadd.f32 $1.000000000e+00, v14;
	(erf) = vrcp.f32 v6;
	v14 =	vpop (erf)  }
0xd6: {  	v8 =	vsub.f32 $0.0e+00, v8;
	v6 =	vld [tilespmem:s29+$0xA0];
	v20 =	vadd.f32 $1.000000000e+00, v14;
	(erf) = vrcp.f32 v15;
	v14 =	vpop (erf)  }
0xd7: {  	v37 =	vld [tilespmem:s29+$0xFFFFFEB0];
	v21 =	vadd.f32 $1.000000000e+00, v14;
	(erf) = vrcp.f32 v16;
	v14 =	vpop (erf)  }
0xd8: {  	v8 =	vmul.f32 $1.442695020e+00, v8;
	v38 =	vld [tilespmem:s29+$0xFFFFFF30];
	v16 =	vadd.f32 $1.000000000e+00, v14;
	(erf) = vrcp.f32 v19;
	v15 =	vpop (erf)  }
0xd9: {  	v14 =	vld [tilespmem:s29+$0xFFFFFFB0];
	v22 =	vadd.f32 $1.000000000e+00, v15;
	(erf) = vrcp.f32 v12;
	v12 =	vpop (erf)  }
0xda: {  	v15 =	vld [tilespmem:s29+$0x30];
	(erf) = vpow2.f32 v8;
	v23 =	vadd.f32 $1.000000000e+00, v12;
	v12 =	vpop (erf)  }
0xdb: {  	v8 =	vld [tilespmem:s29+$0xB0];
	v24 =	vadd.f32 $1.000000000e+00, v12;
	(erf) = vrcp.f32 v18;
	v12 =	vpop (erf)  }
0xdc: {  	v40 =	vld [tilespmem:s29+$0xFFFFFEC0];
	v25 =	vadd.f32 $1.000000000e+00, v12;
	(erf) = vrcp.f32 v20;
	v12 =	vpop (erf)  }
0xdd: {  	v42 =	vld [tilespmem:s29+$0xFFFFFF40];
	v20 =	vadd.f32 $1.000000000e+00, v12;
	v12 =	vpop (erf);
	(erf) = vrcp.f32 v21  }
0xde: {  	v18 =	vld [tilespmem:s29+$0xFFFFFFC0];
	[tilespmem:s26+$0xFFFFFF80] =	vst v12;
	v12 =	vpop (erf);
	(erf) = vrcp.f32 v16  }
0xdf: {  	v19 =	vld [tilespmem:s29+$0x40];
	[tilespmem:s26+$0xFFFFFF90] =	vst v12;
	v16 =	vpop (erf);
	(erf) = vrcp.f32 v22  }
0xe0: {  	v12 =	vld [tilespmem:s29+$0xC0];
	[tilespmem:s26+$0xFFFFFFA0] =	vst v16;
	v16 =	vpop (erf);
	(erf) = vrcp.f32 v23  }
0xe1: {  	v44 =	vld [tilespmem:s29+$0xFFFFFED0];
	[tilespmem:s26+$0xFFFFFFB0] =	vst v16;
	v16 =	vpop (erf);
	(erf) = vrcp.f32 v24  }
0xe2: {  	v45 =	vld [tilespmem:s29+$0xFFFFFF50];
	[tilespmem:s26+$0xFFFFFFC0] =	vst v16;
	v16 =	vpop (erf);
	(erf) = vrcp.f32 v25  }
0xe3: {  	v21 =	vld [tilespmem:s29+$0xFFFFFFD0];
	v22 =	vpop (erf);
	[tilespmem:s26+$0xFFFFFFD0] =	vst v16;
	(erf) = vrcp.f32 v20  }
0xe4: {  	v23 =	vld [tilespmem:s29+$0x50];
	v24 =	vadd.f32 $1.000000000e+00, v22;
	v22 =	vpop (erf)  }
0xe5: {  	v16 =	vld [tilespmem:s29+$0xD0];
	[tilespmem:s26+$0xFFFFFFE0] =	vst v22;
	v22 =	vpop (erf)  }
0xe6: {  	v47 =	vld [tilespmem:s29+$0xFFFFFEE0];
	(erf) = vrcp.f32 v24;
	[tilespmem:s26+$0xFFFFFFF0] =	vst v22;
	v20 =	vpop (erf)  }
0xe7: {  	v48 =	vld [tilespmem:s29+$0xFFFFFF60];
	[tilespmem:s26+$0x0] =	vst v20;
	v20 =	vpop (erf)  }
0xe8: {  	v27 =	vld [tilespmem:s29+$0xFFFFFFE0];
	[tilespmem:s26+$0x10] =	vst v20;
	v20 =	vpop (erf)  }
0xe9: {  	v28 =	vld [tilespmem:s29+$0x60];
	[tilespmem:s26+$0x20] =	vst v20;
	v22 =	vpop (erf)  }
0xea: {  	v20 =	vld [tilespmem:s29+$0xE0];
	[tilespmem:s26+$0x30] =	vst v22;
	v22 =	vpop (erf)  }
0xeb: {  	v49 =	vld [tilespmem:s29+$0xFFFFFEF0];
	[tilespmem:s26+$0x40] =	vst v22;
	v22 =	vpop (erf)  }
0xec: {  	v50 =	vld [tilespmem:s29+$0xFFFFFF70];
	[tilespmem:s26+$0x50] =	vst v22;
	v22 =	vpop (erf)  }
0xed: {  	v51 =	vld [tilespmem:s29+$0xFFFFFF00];
	[tilespmem:s26+$0x60] =	vst v22  }
0xee: {  	v52 =	vld [tilespmem:s29+$0xFFFFFF10]  }
0xef: {  	s26 =	sadd.s32 $0x100, s26;
	v46 =	vld [tilespmem:s29+$0xFFFFFF20];
	v22 =	vpop (erf)  }
0xf0: {  	v43 =	vld [tilespmem:s29+$0xFFFFFF30];
	[tilespmem:s26+$0x70] =	vst v22  }
0xf1: {  	v41 =	vld [tilespmem:s29+$0xFFFFFF40]  }
0xf2: {  	v39 =	vld [tilespmem:s29+$0xFFFFFF50]  }
0xf3: {  	v36 =	vld [tilespmem:s29+$0xFFFFFF60]  }
0xf4: {  	v53 =	vld [tilespmem:s29+$0xFFFFFE80]  }
0xf5: {  	v33 =	vld [tilespmem:s29+$0x100]  }
0xf6: {  	v30 =	vld [tilespmem:s29+$0x110]  }
0xf7: {  	v29 =	vld [tilespmem:s29+$0x120]  }
0xf8: {  	v26 =	vld [tilespmem:s29+$0x130]  }
0xf9: {  	v25 =	vld [tilespmem:s29+$0x140]  }
0xfa: {  	v24 =	vld [tilespmem:s29+$0x150]  }
0xfb: {  	v22 =	vld [tilespmem:s29+$0x160]  }
0xfc: {  	v53 =	vld.idx.msk [tilespmem:v53+s15+$0x0], $0xffff  }
0xfd: {  	v17 =	vld.idx.msk [tilespmem:v17+s16+$0x0], $0xffff  }
0xfe: {  	v54 =	vld.idx.msk [tilespmem:v5+s17+$0x0], $0xffff  }
0xff: {  	v55 =	vld.idx.msk [tilespmem:v7+s18+$0x0], $0xffff  }
0x100: {  	v31 =	vld.idx.msk [tilespmem:v31+s15+$0x0], $0xffff  }
0x101: {  	v32 =	vld.idx.msk [tilespmem:v32+s16+$0x0], $0xffff  }
0x102: {  	v56 =	vld.idx.msk [tilespmem:v9+s17+$0x0], $0xffff  }
0x103: {  	v17 =	vadd.f32 v17, v53;
	v53 =	vld.idx.msk [tilespmem:v10+s18+$0x0], $0xffff  }
0x104: {  	v34 =	vld.idx.msk [tilespmem:v34+s15+$0x0], $0xffff  }
0x105: {  	v54 =	vadd.f32 v55, v54;
	v35 =	vld.idx.msk [tilespmem:v35+s16+$0x0], $0xffff  }
0x106: {  	v55 =	vld.idx.msk [tilespmem:v11+s17+$0x0], $0xffff  }
0x107: {  	v17 =	vadd.f32 v54, v17;
	v31 =	vadd.f32 v32, v31;
	v32 =	vld.idx.msk [tilespmem:v13+s18+$0x0], $0xffff  }
0x108: {  	v37 =	vld.idx.msk [tilespmem:v37+s15+$0x0], $0xffff  }
0x109: {  	v53 =	vadd.f32 v53, v56;
	v38 =	vld.idx.msk [tilespmem:v38+s16+$0x0], $0xffff  }
0x10a: {  	v54 =	vld.idx.msk [tilespmem:v14+s17+$0x0], $0xffff  }
0x10b: {  	v31 =	vadd.f32 v53, v31;
	v34 =	vadd.f32 v35, v34;
	v35 =	vld.idx.msk [tilespmem:v15+s18+$0x0], $0xffff  }
0x10c: {  	v40 =	vld.idx.msk [tilespmem:v40+s15+$0x0], $0xffff  }
0x10d: {  	v32 =	vadd.f32 v32, v55;
	v42 =	vld.idx.msk [tilespmem:v42+s16+$0x0], $0xffff  }
0x10e: {  	v53 =	vld.idx.msk [tilespmem:v18+s17+$0x0], $0xffff  }
0x10f: {  	v32 =	vadd.f32 v32, v34;
	v34 =	vadd.f32 v38, v37;
	v37 =	vld.idx.msk [tilespmem:v19+s18+$0x0], $0xffff  }
0x110: {  	v38 =	vld.idx.msk [tilespmem:v44+s15+$0x0], $0xffff  }
0x111: {  	v35 =	vadd.f32 v35, v54;
	v44 =	vld.idx.msk [tilespmem:v45+s16+$0x0], $0xffff  }
0x112: {  	v45 =	vld.idx.msk [tilespmem:v21+s17+$0x0], $0xffff  }
0x113: {  	v34 =	vadd.f32 v35, v34;
	v35 =	vadd.f32 v42, v40;
	v40 =	vld.idx.msk [tilespmem:v23+s18+$0x0], $0xffff  }
0x114: {  	v42 =	vld.idx.msk [tilespmem:v47+s15+$0x0], $0xffff  }
0x115: {  	v37 =	vadd.f32 v37, v53;
	v47 =	vld.idx.msk [tilespmem:v48+s16+$0x0], $0xffff  }
0x116: {  	v48 =	vld.idx.msk [tilespmem:v27+s17+$0x0], $0xffff  }
0x117: {  	v35 =	vadd.f32 v37, v35;
	v37 =	vadd.f32 v44, v38;
	v38 =	vld.idx.msk [tilespmem:v28+s18+$0x0], $0xffff  }
0x118: {  	v44 =	vld.idx.msk [tilespmem:v49+s15+$0x0], $0xffff  }
0x119: {  	v40 =	vadd.f32 v40, v45;
	v45 =	vld.idx.msk [tilespmem:v50+s16+$0x0], $0xffff  }
0x11a: {  	v3 =	vld.idx.msk [tilespmem:v3+s17+$0x0], $0xffff  }
0x11b: {  	v37 =	vadd.f32 v40, v37;
	v40 =	vadd.f32 v47, v42;
	v4 =	vld.idx.msk [tilespmem:v4+s18+$0x0], $0xffff  }
0x11c: {  	v42 =	vld.idx.msk [tilespmem:v51+s15+$0x0], $0xffff  }
0x11d: {  	v38 =	vadd.f32 v38, v48;
	v5 =	vld.idx.msk [tilespmem:v5+s16+$0x0], $0xffff  }
0x11e: {  	v7 =	vld.idx.msk [tilespmem:v7+s17+$0x0], $0xffff  }
0x11f: {  	v38 =	vadd.f32 v38, v40;
	v40 =	vadd.f32 v45, v44;
	v44 =	vld.idx.msk [tilespmem:v1+s18+$0x0], $0xffff  }
0x120: {  	v45 =	vld.idx.msk [tilespmem:v52+s15+$0x0], $0xffff  }
0x121: {  	v3 =	vadd.f32 v4, v3;
	v4 =	vld.idx.msk [tilespmem:v9+s16+$0x0], $0xffff  }
0x122: {  	v9 =	vld.idx.msk [tilespmem:v10+s17+$0x0], $0xffff  }
0x123: {  	v40 =	vadd.f32 v3, v40;
	v3 =	vadd.f32 v5, v42;
	v5 =	vld.idx.msk [tilespmem:v2+s18+$0x0], $0xffff  }
0x124: {  	v10 =	vld.idx.msk [tilespmem:v46+s15+$0x0], $0xffff  }
0x125: {  	v7 =	vadd.f32 v44, v7;
	v11 =	vld.idx.msk [tilespmem:v11+s16+$0x0], $0xffff  }
0x126: {  	v13 =	vld.idx.msk [tilespmem:v13+s17+$0x0], $0xffff  }
0x127: {  	v42 =	vadd.f32 v7, v3;
	v3 =	vadd.f32 v4, v45;
	v4 =	vld.idx.msk [tilespmem:v6+s18+$0x0], $0xffff  }
0x128: {  	v7 =	vld.idx.msk [tilespmem:v43+s15+$0x0], $0xffff  }
0x129: {  	v5 =	vadd.f32 v5, v9;
	v9 =	vld.idx.msk [tilespmem:v14+s16+$0x0], $0xffff  }
0x12a: {  	v14 =	vld.idx.msk [tilespmem:v15+s17+$0x0], $0xffff  }
0x12b: {  	v3 =	vadd.f32 v5, v3;
	v5 =	vadd.f32 v11, v10;
	v10 =	vld.idx.msk [tilespmem:v8+s18+$0x0], $0xffff  }
0x12c: {  	v11 =	vld.idx.msk [tilespmem:v41+s15+$0x0], $0xffff  }
0x12d: {  	v4 =	vadd.f32 v4, v13;
	v13 =	vld.idx.msk [tilespmem:v18+s16+$0x0], $0xffff  }
0x12e: {  	v15 =	vld.idx.msk [tilespmem:v19+s17+$0x0], $0xffff  }
0x12f: {  	v4 =	vadd.f32 v4, v5;
	v5 =	vadd.f32 v9, v7;
	v9 =	vld.idx.msk [tilespmem:v12+s18+$0x0], $0xffff  }
0x130: {  	v18 =	vld.idx.msk [tilespmem:v39+s15+$0x0], $0xffff  }
0x131: {  	v7 =	vadd.f32 v10, v14;
	v10 =	vld.idx.msk [tilespmem:v21+s16+$0x0], $0xffff  }
0x132: {  	v14 =	vld.idx.msk [tilespmem:v23+s17+$0x0], $0xffff  }
0x133: {  	v7 =	vadd.f32 v7, v5;
	v5 =	vadd.f32 v13, v11;
	v11 =	vld.idx.msk [tilespmem:v16+s18+$0x0], $0xffff  }
0x134: {  	v13 =	vld.idx.msk [tilespmem:v36+s15+$0x0], $0xffff  }
0x135: {  	v9 =	vadd.f32 v9, v15;
	v15 =	vld.idx.msk [tilespmem:v27+s16+$0x0], $0xffff  }
0x136: {  	v19 =	vld.idx.msk [tilespmem:v28+s17+$0x0], $0xffff  }
0x137: {  	v9 =	vadd.f32 v9, v5;
	v5 =	vadd.f32 v10, v18;
	v10 =	vld.idx.msk [tilespmem:v20+s18+$0x0], $0xffff  }
0x138: {  	v1 =	vld.idx.msk [tilespmem:v1+s19+$0x0], $0xffff  }
0x139: {  	v18 =	vld.idx.msk [tilespmem:v2+s19+$0x0], $0xffff;
	v2 =	vadd.f32 v11, v14  }
0x13a: {  	v11 =	vld.idx.msk [tilespmem:v6+s19+$0x0], $0xffff  }
0x13b: {  	v8 =	vld.idx.msk [tilespmem:v8+s19+$0x0], $0xffff;
	v2 =	vadd.f32 v2, v5;
	v5 =	vadd.f32 v15, v13  }
0x13c: {  	v12 =	vld.idx.msk [tilespmem:v12+s19+$0x0], $0xffff  }
0x13d: {  	v6 =	vadd.f32 v10, v19;
	v13 =	vld.idx.msk [tilespmem:v16+s19+$0x0], $0xffff  }
0x13e: {  	v1 =	vadd.f32 v1, v17;
	v14 =	vld.idx.msk [tilespmem:v20+s19+$0x0], $0xffff  }
0x13f: {  	v10 =	vadd.f32 v18, v31;
	v6 =	vadd.f32 v6, v5;
	v18 =	vld.idx.msk [tilespmem:v0+s19+$0x0], $0xffff  }
0x140: {  	v0 =	vsub.f32 $0.0e+00, v1;
	v1 =	vadd.f32 v11, v32;
	v20 =	vld.idx.msk [tilespmem:v33+s19+$0x0], $0xffff  }
0x141: {  	v5 =	vsub.f32 $0.0e+00, v10;
	v8 =	vadd.f32 v8, v34;
	v16 =	vld.idx.msk [tilespmem:v30+s19+$0x0], $0xffff  }
.Ltmp0:
0x142: {  	v10 =	vmul.f32 $1.442695020e+00, v0;
	v1 =	vsub.f32 $0.0e+00, v1;
	v17 =	vadd.f32 v12, v35;
	v15 =	vld.idx.msk [tilespmem:v29+s19+$0x0], $0xffff;
	(pc) =	sbr.rel @p0 .LBB2_2-.Ltmp0, $4  }
0x143: {  	v11 =	vmul.f32 $1.442695020e+00, v5;
	v5 =	vsub.f32 $0.0e+00, v8;
	v13 =	vadd.f32 v13, v37;
	v0 =	vld.idx.msk [tilespmem:v26+s19+$0x0], $0xffff  }
0x144: {  	v12 =	vmul.f32 $1.442695020e+00, v1;
	v1 =	vsub.f32 $0.0e+00, v17;
	v19 =	vadd.f32 v14, v38;
	v14 =	vld.idx.msk [tilespmem:v25+s19+$0x0], $0xffff  }
0x145: {  	v8 =	vmul.f32 $1.442695020e+00, v5;
	v17 =	vsub.f32 $0.0e+00, v13;
	v18 =	vadd.f32 v18, v40;
	v5 =	vld.idx.msk [tilespmem:v24+s19+$0x0], $0xffff  }
0x146: {  	s29 =	sadd.s32 $0x100, s29;
	v13 =	vmul.f32 $1.442695020e+00, v1;
	v19 =	vsub.f32 $0.0e+00, v19;
	v20 =	vadd.f32 v20, v42;
	v1 =	vld.idx.msk [tilespmem:v22+s19+$0x0], $0xffff  }
0x147: {  	v17 =	vmul.f32 $1.442695020e+00, v17;
	v18 =	vsub.f32 $0.0e+00, v18;
	(erf) = vpow2.f32 v10  }
0x148: {  	v3 =	vadd.f32 v16, v3;
	v4 =	vadd.f32 v15, v4;
	(erf) = vpow2.f32 v11  }
0x149: {  	v63 =	vmul.f32 $1.442695020e+00, v19;
	v16 =	vsub.f32 $0.0e+00, v20;
	(erf) = vpow2.f32 v12  }
0x14a: {  	v0 =	vadd.f32 v0, v7;
	v19 =	vmul.f32 $1.442695020e+00, v18;
	(erf) = vpow2.f32 v8  }
0x14b: {  	v3 =	vsub.f32 $0.0e+00, v3;
	v4 =	vsub.f32 $0.0e+00, v4;
	(erf) = vpow2.f32 v13  }
0x14c: {  	v21 =	vadd.f32 v14, v9;
	v20 =	vmul.f32 $1.442695020e+00, v16;
	(erf) = vpow2.f32 v17  }
0x14d: {  	v0 =	vsub.f32 $0.0e+00, v0;
	v3 =	vmul.f32 $1.442695020e+00, v3;
	(erf) = vpow2.f32 v63  }
0x14e: {  	v2 =	vadd.f32 v5, v2;
	v4 =	vmul.f32 $1.442695020e+00, v4;
	(erf) = vpow2.f32 v19  }
0x14f: {  	v22 =	vsub.f32 $0.0e+00, v21;
	v1 =	vadd.f32 v1, v6;
	(erf) = vpow2.f32 v20  }
0x150: {  	v0 =	vmul.f32 $1.442695020e+00, v0;
	v2 =	vsub.f32 $0.0e+00, v2;
	v23 =	vpop (erf);
	(erf) = vpow2.f32 v3  }
0x151: {  	v24 =	vmul.f32 $1.442695020e+00, v22;
	v1 =	vsub.f32 $0.0e+00, v1;
	v25 =	vpop (erf);
	(erf) = vpow2.f32 v4  }
0x152: {  	v2 =	vmul.f32 $1.442695020e+00, v2;
	v26 =	vpop (erf);
	(erf) = vpow2.f32 v0  }
0x153: {  	v27 =	vmul.f32 $1.442695020e+00, v1;
	v28 =	vpop (erf);
	(erf) = vpow2.f32 v24  }
0x154: {  	v29 =	vadd.f32 $1.000000000e+00, v23;
	v30 =	vpop (erf);
	(erf) = vpow2.f32 v2  }
0x155: {  	v31 =	vadd.f32 $1.000000000e+00, v25;
	v32 =	vpop (erf);
	(erf) = vpow2.f32 v27  }
0x156: {  	v33 =	vadd.f32 $1.000000000e+00, v26;
	(erf) = vrcp.f32 v29;
	v34 =	vpop (erf)  }
0x157: {  	v1 =	vadd.f32 $1.000000000e+00, v28;
	(erf) = vrcp.f32 v31;
	v35 =	vpop (erf)  }
0x158: {  	v36 =	vadd.f32 $1.000000000e+00, v30;
	(erf) = vrcp.f32 v33;
	v37 =	vpop (erf)  }
0x159: {  	v5 =	vadd.f32 $1.000000000e+00, v32;
	(erf) = vrcp.f32 v1;
	v38 =	vpop (erf)  }
0x15a: {  	v3 =	vadd.f32 $1.000000000e+00, v34;
	(erf) = vrcp.f32 v36;
	v39 =	vpop (erf)  }
0x15b: {  	v2 =	vadd.f32 $1.000000000e+00, v35;
	(erf) = vrcp.f32 v5;
	v40 =	vpop (erf)  }
0x15c: {  	v0 =	vadd.f32 $1.000000000e+00, v37;
	v41 =	vpop (erf);
	(erf) = vrcp.f32 v3  }
0x15d: {  	v1 =	vadd.f32 $1.000000000e+00, v38;
	v42 =	vpop (erf);
	(erf) = vrcp.f32 v2  }
0x15e: {  	v43 =	vadd.f32 $1.000000000e+00, v39;
	v44 =	vpop (erf);
	(erf) = vrcp.f32 v0  }
0x15f: {  	v45 =	vadd.f32 $1.000000000e+00, v40;
	v46 =	vpop (erf);
	(erf) = vrcp.f32 v1  }
0x160: {  	v47 =	vadd.f32 $1.000000000e+00, v41;
	[tilespmem:s26+$0xFFFFFF80] =	vst v46;
	v48 =	vpop (erf);
	(erf) = vrcp.f32 v43  }
0x161: {  	v49 =	vadd.f32 $1.000000000e+00, v42;
	[tilespmem:s26+$0xFFFFFF90] =	vst v48;
	v50 =	vpop (erf);
	(erf) = vrcp.f32 v45  }
0x162: {  	v51 =	vadd.f32 $1.000000000e+00, v44;
	[tilespmem:s26+$0xFFFFFFA0] =	vst v50;
	v52 =	vpop (erf);
	(erf) = vrcp.f32 v47  }
0x163: {  	[tilespmem:s26+$0xFFFFFFB0] =	vst v52;
	v53 =	vpop (erf);
	(erf) = vrcp.f32 v49  }
0x164: {  	[tilespmem:s26+$0xFFFFFFC0] =	vst v53;
	v54 =	vpop (erf);
	(erf) = vrcp.f32 v51  }
0x165: {  	[tilespmem:s26+$0xFFFFFFD0] =	vst v54;
	v55 =	vpop (erf)  }
0x166: {  	[tilespmem:s26+$0xFFFFFFE0] =	vst v55;
	v56 =	vpop (erf)  }
0x167: {  	[tilespmem:s26+$0xFFFFFFF0] =	vst v56;
	v57 =	vpop (erf)  }
0x168: {  	[tilespmem:s26+$0x0] =	vst v57;
	v58 =	vpop (erf)  }
0x169: {  	[tilespmem:s26+$0x10] =	vst v58;
	v59 =	vpop (erf)  }
0x16a: {  	[tilespmem:s26+$0x20] =	vst v59;
	v60 =	vpop (erf)  }
0x16b: {  	[tilespmem:s26+$0x30] =	vst v60;
	v61 =	vpop (erf)  }
0x16c: {  	[tilespmem:s26+$0x40] =	vst v61;
	v62 =	vpop (erf)  }
0x16d: {  	s25 =	sadd.s32 $0x1, s25;
	[tilespmem:s26+$0x50] =	vst v62;
	v63 =	vpop (erf)  }
0x16e: {  	p0 =	sne.s32 s25, s11;
	[tilespmem:s26+$0x60] =	vst v63  }
0x16f: {  	[hbm4b:s10+s12] =	stream.strided.scatter [tilespmem:s21], [sflag:$0x2], $0x1400, s13, s12, $0x38;
	[tilespmem:$0x4800] =	vst v63  }
.Ltmp1:
0x170: {  	_ = 	snop;
	(pc) =	sbr.rel @p0 .LBB2_1-.Ltmp1, $4  }
0x171: {  	[hbm4b:s22+s2] =	stream.linear.scatter [tilespmem:s23], [sflag:$0x2], $0x300, $0x38;
	[tilespmem:$0x4800] =	vst v63  }
0x172: {  	_ =	swait.ge [sflag:s24], $0x1700  }
0x173: {  	[sflag:s24] =	ssyncset.done $0x0  }
0x174: {  	[sflag:s24] =	ssyncadd.s32 $0xFFFFE900  }
0x175: {  	_ =	sfence.sel $0x180000  }
0x176: {  	[bflag:$0x0] =	sbarrier.arrive $0xFFFF  }
0x177: {  	p0 =	sne.s32 s1, $0x0;
	_ =	strace $0x90000047  }
0x178: {  	s0 =	sadd.s32 @!p0 $0x100000, s0;
	[bflag:$0x2] =	sbarrier.arrive $0xFFFF  }
0x179: {  	[sflag:s0] =	ssyncadd.tile.s32 @!p0 $0x1;
	_ =	shalt  }
.Lfunc_end2:
_tile_overlayer_lowered:
.L_overlay_start_2:
0x17a: {  	(tag) =	ssettag $0x2  }
0x17b: {  	s0 =	rddreg [dreg:$0x0];
	s2 =	stileid.u32  }
0x17c: {  	s1 =	rddreg [dreg:$0x1];
	p0 =	sne.s32 s2, $0x0  }
0x17d: {  	s3 =	rddreg [dreg:$0x2];
	[bflag:$0x3] =	sbarrier.arrive $0xFFFF;
	s2 =	simm.s32 @!p0 $0x1C02  }
0x17e: {  	[timem:s3], [sflag:s2] =	dma.local @!p0 [hbm:s0], s1  }
0x17f: {  	s0 =	simm.s32 @!p0 $0x2  }
0x180: {  	_ =	swait.ge @!p0 [sflag:s0], s1  }
0x181: {  	s1 =	ssub.s32 @!p0 $0x0, s1;
	[sflag:s0] =	ssyncset.done @!p0 $0x0  }
0x182: {  	[sflag:s0] =	ssyncadd.s32 @!p0 s1  }
0x183: {  	[bflag:$0x3] =	sbarrier.arrive $0xFFFF  }
0x184: {  	_ =	shalt  }

</sc_bundles>
